<compile_context>
chip_gen: v7x
topology: tpu7x:2x2x1
jax: 0.10.2.dev20260603
libtpu: 0.0.44.dev20260713+nightly
codegen_flags: <defaults>
</compile_context>

<pallas_src>
import dataclasses
import functools

import jax
import jax.numpy as jnp
from jax import lax
from jax.experimental import pallas as pl
from jax.experimental.pallas import tpu as pltpu
from jax.experimental.pallas import tpu_sc as plsc

NC = 2
NS = 16
LANES = 16
CHUNK = 80
ZROWS = 128


def _sc_aggregate(x, src, dst, zrow):
    N, D = x.shape
    E = src.shape[0]
    NW = NC * NS
    assert E % (NW * CHUNK) == 0, (E, NW, CHUNK)
    epw = E // NW
    nchunk = epw // CHUNK
    na = nchunk // 2 + (nchunk // 2) % 2
    nb = nchunk - na
    assert na % 2 == 0 and nb % 2 == 1
    half = na * CHUNK
    bufsz = max(na, nb) * CHUNK
    rps = -(-N // (NS * ZROWS)) * ZROWS
    Np = NS * rps

    mesh = plsc.VectorSubcoreMesh(core_axis_name="c", subcore_axis_name="s")
    cp = pltpu.CompilerParams()
    if "needs_layout_passes" in pltpu.CompilerParams.__dataclass_fields__:
        cp = dataclasses.replace(cp, needs_layout_passes=False)

    @functools.partial(
        pl.kernel,
        out_type=[
            jax.ShapeDtypeStruct((NC * Np, D), jnp.float32),
            jax.ShapeDtypeStruct((NW * Np,), jnp.float32),
        ],
        mesh=mesh,
        compiler_params=cp,
        scratch_types=[
            pltpu.VMEM_SHARED((Np, D), jnp.float32),
            pltpu.VMEM((bufsz,), jnp.int32),
            pltpu.VMEM((epw,), jnp.int32),
            pltpu.VMEM((CHUNK, D), jnp.float32),
            pltpu.VMEM((CHUNK, D), jnp.float32),
            pltpu.VMEM((Np,), jnp.float32),
            pltpu.SemaphoreType.DMA,
            pltpu.SemaphoreType.DMA,
        ],
    )
    def agg_kernel(x_hbm, src_hbm, dst_hbm, zrow_hbm, agg_hbm, deg_hbm,
                   acc_sh, src_half, dst_all, rows0, rows1, deg_loc,
                   sem0, sem1):
        c = lax.axis_index("c")
        s = lax.axis_index("s")
        w = c * NS + s
        base_r = s * rps
        ebase = w * epw
        cp_z = pltpu.async_copy(zrow_hbm.at[pl.ds(base_r, rps)],
                                acc_sh.at[pl.ds(base_r, rps)], sem0)
        cp_s = pltpu.async_copy(src_hbm.at[pl.ds(ebase, half)],
                                src_half.at[pl.ds(0, half)], sem1)

        zero16 = jnp.zeros((LANES,), jnp.float32)
        ones16 = jnp.full((LANES,), 1.0, jnp.float32)

        @pl.loop(0, Np // LANES)
        def _(i):
            deg_loc[pl.ds(i * LANES, LANES)] = zero16

        cp_z.wait()
        cp_s.wait()
        pltpu.sync_copy(dst_hbm.at[pl.ds(ebase, epw)], dst_all)
        plsc.subcore_barrier()

        rows = (rows0, rows1)
        sems = (sem0, sem1)

        def start(b, i, coff):
            gi = src_half.at[pl.ds((i - coff) * CHUNK, CHUNK)]
            pltpu.async_copy(x_hbm.at[gi], rows[b], sems[b])

        def finish(b, i, coff):
            gi = src_half.at[pl.ds((i - coff) * CHUNK, CHUNK)]
            pltpu.make_async_copy(x_hbm.at[gi], rows[b], sems[b]).wait()
            pltpu.sync_copy(rows[b],
                            acc_sh.at[dst_all.at[pl.ds(i * CHUNK, CHUNK)]],
                            add=True)
            for k in range(CHUNK // LANES):
                idx = dst_all[pl.ds(i * CHUNK + k * LANES, LANES)]
                plsc.addupdate_scatter(deg_loc, [idx], ones16)

        start(0, 0, 0)

        @pl.loop(0, na - 2, step=2)
        def _(i):
            start(1, i + 1, 0)
            finish(0, i, 0)
            start(0, i + 2, 0)
            finish(1, i + 1, 0)

        start(1, na - 1, 0)
        finish(0, na - 2, 0)
        finish(1, na - 1, 0)

        pltpu.sync_copy(src_hbm.at[pl.ds(ebase + half, nb * CHUNK)],
                        src_half.at[pl.ds(0, nb * CHUNK)])
        start(0, na, na)

        @pl.loop(na, nchunk - 1, step=2)
        def _(i):
            start(1, i + 1, na)
            finish(0, i, na)
            start(0, i + 2, na)
            finish(1, i + 1, na)

        finish(0, nchunk - 1, na)

        plsc.subcore_barrier()
        pltpu.sync_copy(acc_sh.at[pl.ds(base_r, rps)],
                        agg_hbm.at[pl.ds(c * Np + base_r, rps)])
        pltpu.sync_copy(deg_loc, deg_hbm.at[pl.ds(w * Np, Np)])

    return agg_kernel(x, src, dst, zrow)


def _combine(x, agg_p, deg_p, W_self, W_neigh, b2):
    N, D = x.shape
    C = W_self.shape[1]
    NW = NC * NS
    BLK = 1280

    def body(x_ref, a_ref, d_ref, ws_ref, wn_ref, b_ref, o_ref):
        agg = a_ref[0] + a_ref[1]
        deg = jnp.sum(d_ref[...], axis=0)
        inv = 1.0 / jnp.maximum(deg, 1.0)
        hs = jnp.dot(x_ref[...], ws_ref[...],
                     preferred_element_type=jnp.float32)
        hn = jnp.dot(agg, wn_ref[...], preferred_element_type=jnp.float32)
        o_ref[...] = jnp.maximum(hs + hn * inv[:, None] + b_ref[...], 0.0)

    return pl.pallas_call(
        body,
        grid=(pl.cdiv(N, BLK),),
        in_specs=[
            pl.BlockSpec((BLK, D), lambda i: (i, 0)),
            pl.BlockSpec((NC, BLK, D), lambda i: (0, i, 0)),
            pl.BlockSpec((NW, BLK), lambda i: (0, i)),
            pl.BlockSpec((D, C), lambda i: (0, 0)),
            pl.BlockSpec((D, C), lambda i: (0, 0)),
            pl.BlockSpec((1, C), lambda i: (0, 0)),
        ],
        out_specs=pl.BlockSpec((BLK, C), lambda i: (i, 0)),
        out_shape=jax.ShapeDtypeStruct((N, C), jnp.float32),
    )(x, agg_p, deg_p, W_self, W_neigh, b2)


def kernel(x, edge_index, W_self, W_neigh, b):
    N, D = x.shape
    src = edge_index[0]
    dst = edge_index[1]
    NW = NC * NS
    rps = -(-N // (NS * ZROWS)) * ZROWS
    Np = NS * rps
    zrow = jnp.zeros((NS * rps, D), jnp.float32)
    agg_f, deg_f = _sc_aggregate(x, src, dst, zrow)
    agg_p = agg_f.reshape(NC, Np, D)
    deg_p = deg_f.reshape(NW, Np)
    return _combine(x, agg_p, deg_p, W_self, W_neigh, b.reshape(1, -1))

# --- scband reference (transcript-rebuilt; emitter-appended) ---
"""Pipeline reference for scband-sage-full-57578331570304 (READ-ONLY COPY).

The authoritative reference and input builder live on the scoring server;
editing this copy changes nothing except your own understanding.
"""

import jax, jax.numpy as jnp
import numpy as np

N = 10000
E = 320000
D = 128
C = 128


def setup_inputs(seed: int = 0) -> dict:
    key = jax.random.key(seed)
    k1, k2, k3, k4 = jax.random.split(key, 4)
    x = jax.random.normal(k1, (N, D), dtype=jnp.float32)
    edge_index = jax.random.randint(k2, (2, E), 0, N, dtype=jnp.int32)
    W_self = jax.random.normal(k3, (D, C), dtype=jnp.float32) * 0.05
    W_neigh = jax.random.normal(k4, (D, C), dtype=jnp.float32) * 0.05
    b = jnp.zeros((C,), dtype=jnp.float32)
    return {"x": x, "edge_index": edge_index, "W_self": W_self, "W_neigh": W_neigh, "b": b}


def reference(x, edge_index, W_self, W_neigh, b):
    # DGL SAGEConv(aggregator_type='mean'): h_neigh = mean over in-neighbors,
    # rst = fc_self(h) + fc_neigh(h_neigh) + bias, followed by activation (relu).
    src = edge_index[0]
    dst = edge_index[1]
    msg = jnp.take(x, src, axis=0)                       # gather [E, D]
    agg = jax.ops.segment_sum(msg, dst, num_segments=x.shape[0])   # scatter-add [N, D]
    ones = jnp.ones((edge_index.shape[1],), dtype=x.dtype)
    deg = jax.ops.segment_sum(ones, dst, num_segments=x.shape[0])
    deg = jnp.clip(deg, 1.0)
    h_neigh = agg / deg[:, None]
    out = x @ W_self + h_neigh @ W_neigh + b
    return jax.nn.relu(out)

if __name__ == "__main__":
    import jax
    _d = setup_inputs()
    print(jax.jit(kernel)(*tuple(_d.values())))

</pallas_src>

<mosaic_0001>
#map = affine_map<(d0, d1) -> (0, 0)>
#map1 = affine_map<(d0, d1) -> (0)>
module attributes {stable_mosaic.version = 14 : i64} {
  func.func @agg_kernel(%arg0: i32, %arg1: i32, %arg2: memref<10000x128xf32, #tpu.memory_space<hbm>>, %arg3: memref<320000xi32, #tpu.memory_space<hbm>>, %arg4: memref<320000xi32, #tpu.memory_space<hbm>>, %arg5: memref<10240x128xf32, #tpu.memory_space<hbm>>, %arg6: memref<20480x128xf32, #tpu.memory_space<hbm>>, %arg7: memref<327680xf32, #tpu.memory_space<hbm>>, %arg8: memref<10240x128xf32, #tpu.memory_space<vmem_shared>>, %arg9: memref<5040xi32, #tpu.memory_space<vmem>>, %arg10: memref<10000xi32, #tpu.memory_space<vmem>>, %arg11: memref<80x128xf32, #tpu.memory_space<vmem>>, %arg12: memref<80x128xf32, #tpu.memory_space<vmem>>, %arg13: memref<10240xf32, #tpu.memory_space<vmem>>, %arg14: memref<!tpu.dma_semaphore, #tpu.memory_space<semaphore_mem>>, %arg15: memref<!tpu.dma_semaphore, #tpu.memory_space<semaphore_mem>>) attributes {dimension_semantics = [#tpu.dimension_semantics<core_parallel>, #tpu.dimension_semantics<subcore_parallel>], iteration_bounds = array<i64: 2, 16>, scalar_prefetch = 0 : i64, scratch_operands = 8 : i64, tpu.core_type = #tpu.core_type<sc_vector_subcore>, window_params = [{transform_indices = #map}, {transform_indices = #map1}, {transform_indices = #map1}, {transform_indices = #map}, {transform_indices = #map}, {transform_indices = #map1}]} {
    %mul3A = arith.constant 16 : i32
    %mul3A_0 = arith.muli %arg0, %mul3A : i32
    %add3A = arith.addi %mul3A_0, %arg1 : i32
    %mul3A_1 = arith.constant 640 : i32
    %mul3A_2 = arith.muli %arg1, %mul3A_1 : i32
    %mul3A_3 = arith.constant 10000 : i32
    %mul3A_4 = arith.muli %add3A, %mul3A_3 : i32
    %dma_start3A = arith.constant 0 : i32
    %dma_start3A_5 = tpu.memref_slice %arg8[%mul3A_2, %dma_start3A] : memref<10240x128xf32, #tpu.memory_space<vmem_shared>> -> memref<640x128xf32, #tpu.memory_space<vmem_shared>>
    %dma_start3A_6 = arith.constant 0 : i32
    %dma_start3A_7 = tpu.memref_slice %arg5[%mul3A_2, %dma_start3A_6] : memref<10240x128xf32, #tpu.memory_space<hbm>> -> memref<640x128xf32, #tpu.memory_space<hbm>>
    tpu.enqueue_dma source(%dma_start3A_7 : memref<640x128xf32, #tpu.memory_space<hbm>>) target(%dma_start3A_5 : memref<640x128xf32, #tpu.memory_space<vmem_shared>>) target_semaphore(%arg14 : memref<!tpu.dma_semaphore, #tpu.memory_space<semaphore_mem>>)
    %dma_start3A_8 = arith.constant 0 : i32
    %dma_start3A_9 = tpu.memref_slice %arg9[%dma_start3A_8] : memref<5040xi32, #tpu.memory_space<vmem>> -> memref<4960xi32, #tpu.memory_space<vmem>>
    %dma_start3A_10 = tpu.memref_slice %arg3[%mul3A_4] : memref<320000xi32, #tpu.memory_space<hbm>> -> memref<4960xi32, #tpu.memory_space<hbm>>
    %dma_start3A_11 = arith.constant 0 : i32
    %dma_start3A_12 = tpu.memref_slice %arg9[%dma_start3A_11] : memref<5040xi32, #tpu.memory_space<vmem>> -> memref<4960xi32, #tpu.memory_space<vmem>>
    %dma_start3A_13 = tpu.memref_slice %arg3[%mul3A_4] : memref<320000xi32, #tpu.memory_space<hbm>> -> memref<4960xi32, #tpu.memory_space<hbm>>
    tpu.enqueue_dma source(%dma_start3A_13 : memref<4960xi32, #tpu.memory_space<hbm>>) target(%dma_start3A_12 : memref<4960xi32, #tpu.memory_space<vmem>>) target_semaphore(%arg15 : memref<!tpu.dma_semaphore, #tpu.memory_space<semaphore_mem>>)
    %broadcast_in_dim3A = arith.constant 0.000000e+00 : f32
    %broadcast_in_dim3A_14 = vector.broadcast %broadcast_in_dim3A : f32 to vector<16xf32>
    %broadcast_in_dim3A_15 = arith.constant 1.000000e+00 : f32
    %broadcast_in_dim3A_16 = vector.broadcast %broadcast_in_dim3A_15 : f32 to vector<16xf32>
    %scan3A = arith.constant 0 : i32
    %scan3A_17 = arith.constant 640 : i32
    %scan3A_18 = arith.addi %scan3A, %scan3A_17 : i32
    %scan3A_19 = arith.constant 1 : i32
    scf.for %scan3A_107 = %scan3A to %scan3A_18 step %scan3A_19  : i32 {
      %mul3A_108 = arith.constant 1 : i32
      %mul3A_109 = arith.muli %scan3A_107, %mul3A_108 : i32
      %add3A_110 = arith.constant 0 : i32
      %add3A_111 = arith.addi %add3A_110, %mul3A_109 : i32
      %mul3A_112 = arith.constant 16 : i32
      %mul3A_113 = arith.muli %add3A_111, %mul3A_112 : i32
      %swap3A = arith.index_cast %mul3A_113 : i32 to index
      %swap3A_114 = tpu.vector_load %arg13[%swap3A] {strides = array<i32>} : memref<10240xf32, #tpu.memory_space<vmem>>, vector<16xf32>,
      tpu.vector_store %arg13[%swap3A], %broadcast_in_dim3A_14 {strides = array<i32>} : memref<10240xf32, #tpu.memory_space<vmem>>, vector<16xf32>,
    }
    %scan3A_20 = arith.constant 640 : i32
    %dma_wait3A = arith.constant 0 : i32
    %dma_wait3A_21 = tpu.memref_slice %arg8[%mul3A_2, %dma_wait3A] : memref<10240x128xf32, #tpu.memory_space<vmem_shared>> -> memref<640x128xf32, #tpu.memory_space<vmem_shared>>
    %dma_wait3A_22 = arith.constant 0 : i32
    %dma_wait3A_23 = tpu.memref_slice %arg5[%mul3A_2, %dma_wait3A_22] : memref<10240x128xf32, #tpu.memory_space<hbm>> -> memref<640x128xf32, #tpu.memory_space<hbm>>
    tpu.wait_dma2 semaphore(%arg14 : memref<!tpu.dma_semaphore, #tpu.memory_space<semaphore_mem>>) src(%dma_wait3A_23 : memref<640x128xf32, #tpu.memory_space<hbm>>) dst(%dma_wait3A_21 : memref<640x128xf32, #tpu.memory_space<vmem_shared>>)
    %dma_wait3A_24 = arith.constant 0 : i32
    %dma_wait3A_25 = tpu.memref_slice %arg9[%dma_wait3A_24] : memref<5040xi32, #tpu.memory_space<vmem>> -> memref<4960xi32, #tpu.memory_space<vmem>>
    %dma_wait3A_26 = tpu.memref_slice %arg3[%mul3A_4] : memref<320000xi32, #tpu.memory_space<hbm>> -> memref<4960xi32, #tpu.memory_space<hbm>>
    %dma_wait3A_27 = arith.constant 0 : i32
    %dma_wait3A_28 = tpu.memref_slice %arg9[%dma_wait3A_27] : memref<5040xi32, #tpu.memory_space<vmem>> -> memref<4960xi32, #tpu.memory_space<vmem>>
    %dma_wait3A_29 = tpu.memref_slice %arg3[%mul3A_4] : memref<320000xi32, #tpu.memory_space<hbm>> -> memref<4960xi32, #tpu.memory_space<hbm>>
    tpu.wait_dma2 semaphore(%arg15 : memref<!tpu.dma_semaphore, #tpu.memory_space<semaphore_mem>>) src(%dma_wait3A_29 : memref<4960xi32, #tpu.memory_space<hbm>>) dst(%dma_wait3A_28 : memref<4960xi32, #tpu.memory_space<vmem>>)
    "tpu.region"() ({
      %run_scoped3A = tpu.sem_alloc : memref<!tpu.dma_semaphore, #tpu.memory_space<semaphore_mem>>
      %dma_start3A_107 = tpu.memref_slice %arg4[%mul3A_4] : memref<320000xi32, #tpu.memory_space<hbm>> -> memref<10000xi32, #tpu.memory_space<hbm>>
      %dma_start3A_108 = tpu.memref_slice %arg4[%mul3A_4] : memref<320000xi32, #tpu.memory_space<hbm>> -> memref<10000xi32, #tpu.memory_space<hbm>>
      tpu.enqueue_dma source(%dma_start3A_108 : memref<10000xi32, #tpu.memory_space<hbm>>) target(%arg10 : memref<10000xi32, #tpu.memory_space<vmem>>) target_semaphore(%run_scoped3A : memref<!tpu.dma_semaphore, #tpu.memory_space<semaphore_mem>>)
      %dma_wait3A_109 = tpu.memref_slice %arg4[%mul3A_4] : memref<320000xi32, #tpu.memory_space<hbm>> -> memref<10000xi32, #tpu.memory_space<hbm>>
      %dma_wait3A_110 = tpu.memref_slice %arg4[%mul3A_4] : memref<320000xi32, #tpu.memory_space<hbm>> -> memref<10000xi32, #tpu.memory_space<hbm>>
      tpu.wait_dma2 semaphore(%run_scoped3A : memref<!tpu.dma_semaphore, #tpu.memory_space<semaphore_mem>>) src(%dma_wait3A_110 : memref<10000xi32, #tpu.memory_space<hbm>>) dst(%arg10 : memref<10000xi32, #tpu.memory_space<vmem>>)
      tpu.yield
    }) : () -> ()
    %barrier3A = arith.constant 0 : index
    tpu.barrier barrier_id(%barrier3A)
    %dma_start3A_30 = arith.constant 0 : i32
    %dma_start3A_31 = tpu.memref_slice %arg9[%dma_start3A_30] : memref<5040xi32, #tpu.memory_space<vmem>> -> memref<80xi32, #tpu.memory_space<vmem>>
    %dma_start3A_32 = arith.constant 0 : i32
    %dma_start3A_33 = arith.constant 0 : i32
    %dma_start3A_34 = tpu.memref_slice %arg2[%dma_start3A_32, %dma_start3A_33] : memref<10000x128xf32, #tpu.memory_space<hbm>> -> memref<10000x128xf32, #tpu.memory_space<hbm>>
    tpu.enqueue_indirect_dma source(%dma_start3A_34 : memref<10000x128xf32, #tpu.memory_space<hbm>>) target(%arg11 : memref<80x128xf32, #tpu.memory_space<vmem>>) offsets(%dma_start3A_31 : memref<80xi32, #tpu.memory_space<vmem>>) semaphore(%arg14 : memref<!tpu.dma_semaphore, #tpu.memory_space<semaphore_mem>>)
    %scan3A_35 = arith.constant 0 : i32
    %scan3A_36 = arith.constant 30 : i32
    %scan3A_37 = arith.addi %scan3A_35, %scan3A_36 : i32
    %scan3A_38 = arith.constant 1 : i32
    scf.for %scan3A_107 = %scan3A_35 to %scan3A_37 step %scan3A_38  : i32 {
      %mul3A_108 = arith.constant 2 : i32
      %mul3A_109 = arith.muli %scan3A_107, %mul3A_108 : i32
      %add3A_110 = arith.constant 0 : i32
      %add3A_111 = arith.addi %add3A_110, %mul3A_109 : i32
      %add3A_112 = arith.constant 1 : i32
      %add3A_113 = arith.addi %add3A_111, %add3A_112 : i32
      %sub3A = arith.constant 0 : i32
      %sub3A_114 = arith.subi %add3A_113, %sub3A : i32
      %mul3A_115 = arith.constant 80 : i32
      %mul3A_116 = arith.muli %sub3A_114, %mul3A_115 : i32
      %dma_start3A_117 = tpu.memref_slice %arg9[%mul3A_116] : memref<5040xi32, #tpu.memory_space<vmem>> -> memref<80xi32, #tpu.memory_space<vmem>>
      %dma_start3A_118 = arith.constant 0 : i32
      %dma_start3A_119 = arith.constant 0 : i32
      %dma_start3A_120 = tpu.memref_slice %arg2[%dma_start3A_118, %dma_start3A_119] : memref<10000x128xf32, #tpu.memory_space<hbm>> -> memref<10000x128xf32, #tpu.memory_space<hbm>>
      tpu.enqueue_indirect_dma source(%dma_start3A_120 : memref<10000x128xf32, #tpu.memory_space<hbm>>) target(%arg12 : memref<80x128xf32, #tpu.memory_space<vmem>>) offsets(%dma_start3A_117 : memref<80xi32, #tpu.memory_space<vmem>>) semaphore(%arg15 : memref<!tpu.dma_semaphore, #tpu.memory_space<semaphore_mem>>)
      %sub3A_121 = arith.constant 0 : i32
      %sub3A_122 = arith.subi %add3A_111, %sub3A_121 : i32
      %mul3A_123 = arith.constant 80 : i32
      %mul3A_124 = arith.muli %sub3A_122, %mul3A_123 : i32
      %dma_wait3A_125 = tpu.memref_slice %arg9[%mul3A_124] : memref<5040xi32, #tpu.memory_space<vmem>> -> memref<80xi32, #tpu.memory_space<vmem>>
      %dma_wait3A_126 = arith.constant 0 : i32
      %dma_wait3A_127 = arith.constant 0 : i32
      %dma_wait3A_128 = tpu.memref_slice %arg2[%dma_wait3A_126, %dma_wait3A_127] : memref<10000x128xf32, #tpu.memory_space<hbm>> -> memref<10000x128xf32, #tpu.memory_space<hbm>>
      tpu.wait_indirect_dma semaphore(%arg14 : memref<!tpu.dma_semaphore, #tpu.memory_space<semaphore_mem>>) src(%dma_wait3A_128 : memref<10000x128xf32, #tpu.memory_space<hbm>>) dst(%arg11 : memref<80x128xf32, #tpu.memory_space<vmem>>)
      %mul3A_129 = arith.constant 80 : i32
      %mul3A_130 = arith.muli %add3A_111, %mul3A_129 : i32
      "tpu.region"() ({
        %run_scoped3A = tpu.sem_alloc : memref<!tpu.dma_semaphore, #tpu.memory_space<semaphore_mem>>
        %dma_start3A_213 = tpu.memref_slice %arg10[%mul3A_130] : memref<10000xi32, #tpu.memory_space<vmem>> -> memref<80xi32, #tpu.memory_space<vmem>>
        %dma_start3A_214 = arith.constant 0 : i32
        %dma_start3A_215 = arith.constant 0 : i32
        %dma_start3A_216 = tpu.memref_slice %arg8[%dma_start3A_214, %dma_start3A_215] : memref<10240x128xf32, #tpu.memory_space<vmem_shared>> -> memref<10240x128xf32, #tpu.memory_space<vmem_shared>>
        tpu.enqueue_indirect_dma source(%arg11 : memref<80x128xf32, #tpu.memory_space<vmem>>) target(%dma_start3A_216 : memref<10240x128xf32, #tpu.memory_space<vmem_shared>>) offsets(%dma_start3A_213 : memref<80xi32, #tpu.memory_space<vmem>>) semaphore(%run_scoped3A : memref<!tpu.dma_semaphore, #tpu.memory_space<semaphore_mem>>) {add = true}
        %dma_wait3A_217 = tpu.memref_slice %arg10[%mul3A_130] : memref<10000xi32, #tpu.memory_space<vmem>> -> memref<80xi32, #tpu.memory_space<vmem>>
        %dma_wait3A_218 = arith.constant 0 : i32
        %dma_wait3A_219 = arith.constant 0 : i32
        %dma_wait3A_220 = tpu.memref_slice %arg8[%dma_wait3A_218, %dma_wait3A_219] : memref<10240x128xf32, #tpu.memory_space<vmem_shared>> -> memref<10240x128xf32, #tpu.memory_space<vmem_shared>>
        tpu.wait_indirect_dma semaphore(%run_scoped3A : memref<!tpu.dma_semaphore, #tpu.memory_space<semaphore_mem>>) src(%arg11 : memref<80x128xf32, #tpu.memory_space<vmem>>) dst(%dma_wait3A_220 : memref<10240x128xf32, #tpu.memory_space<vmem_shared>>)
        tpu.yield
      }) : () -> ()
      %mul3A_131 = arith.constant 80 : i32
      %mul3A_132 = arith.muli %add3A_111, %mul3A_131 : i32
      %add3A_133 = arith.constant 0 : i32
      %add3A_134 = arith.addi %mul3A_132, %add3A_133 : i32
      %get3A_135 = arith.index_cast %add3A_134 : i32 to index
      %get3A_136 = tpu.vector_load %arg10[%get3A_135] {strides = array<i32>} : memref<10000xi32, #tpu.memory_space<vmem>>, vector<16xi32>,
      tpu.vector_store_idx %arg13[%get3A_136], %broadcast_in_dim3A_16 {add = true} : memref<10240xf32, #tpu.memory_space<vmem>>[vector<16xi32>], vector<16xf32>,
      %mul3A_137 = arith.constant 80 : i32
      %mul3A_138 = arith.muli %add3A_111, %mul3A_137 : i32
      %add3A_139 = arith.constant 16 : i32
      %add3A_140 = arith.addi %mul3A_138, %add3A_139 : i32
      %get3A_141 = arith.index_cast %add3A_140 : i32 to index
      %get3A_142 = tpu.vector_load %arg10[%get3A_141] {strides = array<i32>} : memref<10000xi32, #tpu.memory_space<vmem>>, vector<16xi32>,
      tpu.vector_store_idx %arg13[%get3A_142], %broadcast_in_dim3A_16 {add = true} : memref<10240xf32, #tpu.memory_space<vmem>>[vector<16xi32>], vector<16xf32>,
      %mul3A_143 = arith.constant 80 : i32
      %mul3A_144 = arith.muli %add3A_111, %mul3A_143 : i32
      %add3A_145 = arith.constant 32 : i32
      %add3A_146 = arith.addi %mul3A_144, %add3A_145 : i32
      %get3A_147 = arith.index_cast %add3A_146 : i32 to index
      %get3A_148 = tpu.vector_load %arg10[%get3A_147] {strides = array<i32>} : memref<10000xi32, #tpu.memory_space<vmem>>, vector<16xi32>,
      tpu.vector_store_idx %arg13[%get3A_148], %broadcast_in_dim3A_16 {add = true} : memref<10240xf32, #tpu.memory_space<vmem>>[vector<16xi32>], vector<16xf32>,
      %mul3A_149 = arith.constant 80 : i32
      %mul3A_150 = arith.muli %add3A_111, %mul3A_149 : i32
      %add3A_151 = arith.constant 48 : i32
      %add3A_152 = arith.addi %mul3A_150, %add3A_151 : i32
      %get3A_153 = arith.index_cast %add3A_152 : i32 to index
      %get3A_154 = tpu.vector_load %arg10[%get3A_153] {strides = array<i32>} : memref<10000xi32, #tpu.memory_space<vmem>>, vector<16xi32>,
      tpu.vector_store_idx %arg13[%get3A_154], %broadcast_in_dim3A_16 {add = true} : memref<10240xf32, #tpu.memory_space<vmem>>[vector<16xi32>], vector<16xf32>,
      %mul3A_155 = arith.constant 80 : i32
      %mul3A_156 = arith.muli %add3A_111, %mul3A_155 : i32
      %add3A_157 = arith.constant 64 : i32
      %add3A_158 = arith.addi %mul3A_156, %add3A_157 : i32
      %get3A_159 = arith.index_cast %add3A_158 : i32 to index
      %get3A_160 = tpu.vector_load %arg10[%get3A_159] {strides = array<i32>} : memref<10000xi32, #tpu.memory_space<vmem>>, vector<16xi32>,
      tpu.vector_store_idx %arg13[%get3A_160], %broadcast_in_dim3A_16 {add = true} : memref<10240xf32, #tpu.memory_space<vmem>>[vector<16xi32>], vector<16xf32>,
      %add3A_161 = arith.constant 2 : i32
      %add3A_162 = arith.addi %add3A_111, %add3A_161 : i32
      %sub3A_163 = arith.constant 0 : i32
      %sub3A_164 = arith.subi %add3A_162, %sub3A_163 : i32
      %mul3A_165 = arith.constant 80 : i32
      %mul3A_166 = arith.muli %sub3A_164, %mul3A_165 : i32
      %dma_start3A_167 = tpu.memref_slice %arg9[%mul3A_166] : memref<5040xi32, #tpu.memory_space<vmem>> -> memref<80xi32, #tpu.memory_space<vmem>>
      %dma_start3A_168 = arith.constant 0 : i32
      %dma_start3A_169 = arith.constant 0 : i32
      %dma_start3A_170 = tpu.memref_slice %arg2[%dma_start3A_168, %dma_start3A_169] : memref<10000x128xf32, #tpu.memory_space<hbm>> -> memref<10000x128xf32, #tpu.memory_space<hbm>>
      tpu.enqueue_indirect_dma source(%dma_start3A_170 : memref<10000x128xf32, #tpu.memory_space<hbm>>) target(%arg11 : memref<80x128xf32, #tpu.memory_space<vmem>>) offsets(%dma_start3A_167 : memref<80xi32, #tpu.memory_space<vmem>>) semaphore(%arg14 : memref<!tpu.dma_semaphore, #tpu.memory_space<semaphore_mem>>)
      %add3A_171 = arith.constant 1 : i32
      %add3A_172 = arith.addi %add3A_111, %add3A_171 : i32
      %sub3A_173 = arith.constant 0 : i32
      %sub3A_174 = arith.subi %add3A_172, %sub3A_173 : i32
      %mul3A_175 = arith.constant 80 : i32
      %mul3A_176 = arith.muli %sub3A_174, %mul3A_175 : i32
      %dma_wait3A_177 = tpu.memref_slice %arg9[%mul3A_176] : memref<5040xi32, #tpu.memory_space<vmem>> -> memref<80xi32, #tpu.memory_space<vmem>>
      %dma_wait3A_178 = arith.constant 0 : i32
      %dma_wait3A_179 = arith.constant 0 : i32
      %dma_wait3A_180 = tpu.memref_slice %arg2[%dma_wait3A_178, %dma_wait3A_179] : memref<10000x128xf32, #tpu.memory_space<hbm>> -> memref<10000x128xf32, #tpu.memory_space<hbm>>
      tpu.wait_indirect_dma semaphore(%arg15 : memref<!tpu.dma_semaphore, #tpu.memory_space<semaphore_mem>>) src(%dma_wait3A_180 : memref<10000x128xf32, #tpu.memory_space<hbm>>) dst(%arg12 : memref<80x128xf32, #tpu.memory_space<vmem>>)
      %mul3A_181 = arith.constant 80 : i32
      %mul3A_182 = arith.muli %add3A_172, %mul3A_181 : i32
      "tpu.region"() ({
        %run_scoped3A = tpu.sem_alloc : memref<!tpu.dma_semaphore, #tpu.memory_space<semaphore_mem>>
        %dma_start3A_213 = tpu.memref_slice %arg10[%mul3A_182] : memref<10000xi32, #tpu.memory_space<vmem>> -> memref<80xi32, #tpu.memory_space<vmem>>
        %dma_start3A_214 = arith.constant 0 : i32
        %dma_start3A_215 = arith.constant 0 : i32
        %dma_start3A_216 = tpu.memref_slice %arg8[%dma_start3A_214, %dma_start3A_215] : memref<10240x128xf32, #tpu.memory_space<vmem_shared>> -> memref<10240x128xf32, #tpu.memory_space<vmem_shared>>
        tpu.enqueue_indirect_dma source(%arg12 : memref<80x128xf32, #tpu.memory_space<vmem>>) target(%dma_start3A_216 : memref<10240x128xf32, #tpu.memory_space<vmem_shared>>) offsets(%dma_start3A_213 : memref<80xi32, #tpu.memory_space<vmem>>) semaphore(%run_scoped3A : memref<!tpu.dma_semaphore, #tpu.memory_space<semaphore_mem>>) {add = true}
        %dma_wait3A_217 = tpu.memref_slice %arg10[%mul3A_182] : memref<10000xi32, #tpu.memory_space<vmem>> -> memref<80xi32, #tpu.memory_space<vmem>>
        %dma_wait3A_218 = arith.constant 0 : i32
        %dma_wait3A_219 = arith.constant 0 : i32
        %dma_wait3A_220 = tpu.memref_slice %arg8[%dma_wait3A_218, %dma_wait3A_219] : memref<10240x128xf32, #tpu.memory_space<vmem_shared>> -> memref<10240x128xf32, #tpu.memory_space<vmem_shared>>
        tpu.wait_indirect_dma semaphore(%run_scoped3A : memref<!tpu.dma_semaphore, #tpu.memory_space<semaphore_mem>>) src(%arg12 : memref<80x128xf32, #tpu.memory_space<vmem>>) dst(%dma_wait3A_220 : memref<10240x128xf32, #tpu.memory_space<vmem_shared>>)
        tpu.yield
      }) : () -> ()
      %mul3A_183 = arith.constant 80 : i32
      %mul3A_184 = arith.muli %add3A_172, %mul3A_183 : i32
      %add3A_185 = arith.constant 0 : i32
      %add3A_186 = arith.addi %mul3A_184, %add3A_185 : i32
      %get3A_187 = arith.index_cast %add3A_186 : i32 to index
      %get3A_188 = tpu.vector_load %arg10[%get3A_187] {strides = array<i32>} : memref<10000xi32, #tpu.memory_space<vmem>>, vector<16xi32>,
      tpu.vector_store_idx %arg13[%get3A_188], %broadcast_in_dim3A_16 {add = true} : memref<10240xf32, #tpu.memory_space<vmem>>[vector<16xi32>], vector<16xf32>,
      %mul3A_189 = arith.constant 80 : i32
      %mul3A_190 = arith.muli %add3A_172, %mul3A_189 : i32
      %add3A_191 = arith.constant 16 : i32
      %add3A_192 = arith.addi %mul3A_190, %add3A_191 : i32
      %get3A_193 = arith.index_cast %add3A_192 : i32 to index
      %get3A_194 = tpu.vector_load %arg10[%get3A_193] {strides = array<i32>} : memref<10000xi32, #tpu.memory_space<vmem>>, vector<16xi32>,
      tpu.vector_store_idx %arg13[%get3A_194], %broadcast_in_dim3A_16 {add = true} : memref<10240xf32, #tpu.memory_space<vmem>>[vector<16xi32>], vector<16xf32>,
      %mul3A_195 = arith.constant 80 : i32
      %mul3A_196 = arith.muli %add3A_172, %mul3A_195 : i32
      %add3A_197 = arith.constant 32 : i32
      %add3A_198 = arith.addi %mul3A_196, %add3A_197 : i32
      %get3A_199 = arith.index_cast %add3A_198 : i32 to index
      %get3A_200 = tpu.vector_load %arg10[%get3A_199] {strides = array<i32>} : memref<10000xi32, #tpu.memory_space<vmem>>, vector<16xi32>,
      tpu.vector_store_idx %arg13[%get3A_200], %broadcast_in_dim3A_16 {add = true} : memref<10240xf32, #tpu.memory_space<vmem>>[vector<16xi32>], vector<16xf32>,
      %mul3A_201 = arith.constant 80 : i32
      %mul3A_202 = arith.muli %add3A_172, %mul3A_201 : i32
      %add3A_203 = arith.constant 48 : i32
      %add3A_204 = arith.addi %mul3A_202, %add3A_203 : i32
      %get3A_205 = arith.index_cast %add3A_204 : i32 to index
      %get3A_206 = tpu.vector_load %arg10[%get3A_205] {strides = array<i32>} : memref<10000xi32, #tpu.memory_space<vmem>>, vector<16xi32>,
      tpu.vector_store_idx %arg13[%get3A_206], %broadcast_in_dim3A_16 {add = true} : memref<10240xf32, #tpu.memory_space<vmem>>[vector<16xi32>], vector<16xf32>,
      %mul3A_207 = arith.constant 80 : i32
      %mul3A_208 = arith.muli %add3A_172, %mul3A_207 : i32
      %add3A_209 = arith.constant 64 : i32
      %add3A_210 = arith.addi %mul3A_208, %add3A_209 : i32
      %get3A_211 = arith.index_cast %add3A_210 : i32 to index
      %get3A_212 = tpu.vector_load %arg10[%get3A_211] {strides = array<i32>} : memref<10000xi32, #tpu.memory_space<vmem>>, vector<16xi32>,
      tpu.vector_store_idx %arg13[%get3A_212], %broadcast_in_dim3A_16 {add = true} : memref<10240xf32, #tpu.memory_space<vmem>>[vector<16xi32>], vector<16xf32>,
    }
    %scan3A_39 = arith.constant 30 : i32
    %dma_start3A_40 = arith.constant 4880 : i32
    %dma_start3A_41 = tpu.memref_slice %arg9[%dma_start3A_40] : memref<5040xi32, #tpu.memory_space<vmem>> -> memref<80xi32, #tpu.memory_space<vmem>>
    %dma_start3A_42 = arith.constant 0 : i32
    %dma_start3A_43 = arith.constant 0 : i32
    %dma_start3A_44 = tpu.memref_slice %arg2[%dma_start3A_42, %dma_start3A_43] : memref<10000x128xf32, #tpu.memory_space<hbm>> -> memref<10000x128xf32, #tpu.memory_space<hbm>>
    tpu.enqueue_indirect_dma source(%dma_start3A_44 : memref<10000x128xf32, #tpu.memory_space<hbm>>) target(%arg12 : memref<80x128xf32, #tpu.memory_space<vmem>>) offsets(%dma_start3A_41 : memref<80xi32, #tpu.memory_space<vmem>>) semaphore(%arg15 : memref<!tpu.dma_semaphore, #tpu.memory_space<semaphore_mem>>)
    %dma_wait3A_45 = arith.constant 4800 : i32
    %dma_wait3A_46 = tpu.memref_slice %arg9[%dma_wait3A_45] : memref<5040xi32, #tpu.memory_space<vmem>> -> memref<80xi32, #tpu.memory_space<vmem>>
    %dma_wait3A_47 = arith.constant 0 : i32
    %dma_wait3A_48 = arith.constant 0 : i32
    %dma_wait3A_49 = tpu.memref_slice %arg2[%dma_wait3A_47, %dma_wait3A_48] : memref<10000x128xf32, #tpu.memory_space<hbm>> -> memref<10000x128xf32, #tpu.memory_space<hbm>>
    tpu.wait_indirect_dma semaphore(%arg14 : memref<!tpu.dma_semaphore, #tpu.memory_space<semaphore_mem>>) src(%dma_wait3A_49 : memref<10000x128xf32, #tpu.memory_space<hbm>>) dst(%arg11 : memref<80x128xf32, #tpu.memory_space<vmem>>)
    "tpu.region"() ({
      %run_scoped3A = tpu.sem_alloc : memref<!tpu.dma_semaphore, #tpu.memory_space<semaphore_mem>>
      %dma_start3A_107 = arith.constant 4800 : i32
      %dma_start3A_108 = tpu.memref_slice %arg10[%dma_start3A_107] : memref<10000xi32, #tpu.memory_space<vmem>> -> memref<80xi32, #tpu.memory_space<vmem>>
      %dma_start3A_109 = arith.constant 0 : i32
      %dma_start3A_110 = arith.constant 0 : i32
      %dma_start3A_111 = tpu.memref_slice %arg8[%dma_start3A_109, %dma_start3A_110] : memref<10240x128xf32, #tpu.memory_space<vmem_shared>> -> memref<10240x128xf32, #tpu.memory_space<vmem_shared>>
      tpu.enqueue_indirect_dma source(%arg11 : memref<80x128xf32, #tpu.memory_space<vmem>>) target(%dma_start3A_111 : memref<10240x128xf32, #tpu.memory_space<vmem_shared>>) offsets(%dma_start3A_108 : memref<80xi32, #tpu.memory_space<vmem>>) semaphore(%run_scoped3A : memref<!tpu.dma_semaphore, #tpu.memory_space<semaphore_mem>>) {add = true}
      %dma_wait3A_112 = arith.constant 4800 : i32
      %dma_wait3A_113 = tpu.memref_slice %arg10[%dma_wait3A_112] : memref<10000xi32, #tpu.memory_space<vmem>> -> memref<80xi32, #tpu.memory_space<vmem>>
      %dma_wait3A_114 = arith.constant 0 : i32
      %dma_wait3A_115 = arith.constant 0 : i32
      %dma_wait3A_116 = tpu.memref_slice %arg8[%dma_wait3A_114, %dma_wait3A_115] : memref<10240x128xf32, #tpu.memory_space<vmem_shared>> -> memref<10240x128xf32, #tpu.memory_space<vmem_shared>>
      tpu.wait_indirect_dma semaphore(%run_scoped3A : memref<!tpu.dma_semaphore, #tpu.memory_space<semaphore_mem>>) src(%arg11 : memref<80x128xf32, #tpu.memory_space<vmem>>) dst(%dma_wait3A_116 : memref<10240x128xf32, #tpu.memory_space<vmem_shared>>)
      tpu.yield
    }) : () -> ()
    %get3A = arith.constant 4800 : index
    %get3A_50 = tpu.vector_load %arg10[%get3A] {strides = array<i32>} : memref<10000xi32, #tpu.memory_space<vmem>>, vector<16xi32>,
    tpu.vector_store_idx %arg13[%get3A_50], %broadcast_in_dim3A_16 {add = true} : memref<10240xf32, #tpu.memory_space<vmem>>[vector<16xi32>], vector<16xf32>,
    %get3A_51 = arith.constant 4816 : index
    %get3A_52 = tpu.vector_load %arg10[%get3A_51] {strides = array<i32>} : memref<10000xi32, #tpu.memory_space<vmem>>, vector<16xi32>,
    tpu.vector_store_idx %arg13[%get3A_52], %broadcast_in_dim3A_16 {add = true} : memref<10240xf32, #tpu.memory_space<vmem>>[vector<16xi32>], vector<16xf32>,
    %get3A_53 = arith.constant 4832 : index
    %get3A_54 = tpu.vector_load %arg10[%get3A_53] {strides = array<i32>} : memref<10000xi32, #tpu.memory_space<vmem>>, vector<16xi32>,
    tpu.vector_store_idx %arg13[%get3A_54], %broadcast_in_dim3A_16 {add = true} : memref<10240xf32, #tpu.memory_space<vmem>>[vector<16xi32>], vector<16xf32>,
    %get3A_55 = arith.constant 4848 : index
    %get3A_56 = tpu.vector_load %arg10[%get3A_55] {strides = array<i32>} : memref<10000xi32, #tpu.memory_space<vmem>>, vector<16xi32>,
    tpu.vector_store_idx %arg13[%get3A_56], %broadcast_in_dim3A_16 {add = true} : memref<10240xf32, #tpu.memory_space<vmem>>[vector<16xi32>], vector<16xf32>,
    %get3A_57 = arith.constant 4864 : index
    %get3A_58 = tpu.vector_load %arg10[%get3A_57] {strides = array<i32>} : memref<10000xi32, #tpu.memory_space<vmem>>, vector<16xi32>,
    tpu.vector_store_idx %arg13[%get3A_58], %broadcast_in_dim3A_16 {add = true} : memref<10240xf32, #tpu.memory_space<vmem>>[vector<16xi32>], vector<16xf32>,
    %dma_wait3A_59 = arith.constant 4880 : i32
    %dma_wait3A_60 = tpu.memref_slice %arg9[%dma_wait3A_59] : memref<5040xi32, #tpu.memory_space<vmem>> -> memref<80xi32, #tpu.memory_space<vmem>>
    %dma_wait3A_61 = arith.constant 0 : i32
    %dma_wait3A_62 = arith.constant 0 : i32
    %dma_wait3A_63 = tpu.memref_slice %arg2[%dma_wait3A_61, %dma_wait3A_62] : memref<10000x128xf32, #tpu.memory_space<hbm>> -> memref<10000x128xf32, #tpu.memory_space<hbm>>
    tpu.wait_indirect_dma semaphore(%arg15 : memref<!tpu.dma_semaphore, #tpu.memory_space<semaphore_mem>>) src(%dma_wait3A_63 : memref<10000x128xf32, #tpu.memory_space<hbm>>) dst(%arg12 : memref<80x128xf32, #tpu.memory_space<vmem>>)
    "tpu.region"() ({
      %run_scoped3A = tpu.sem_alloc : memref<!tpu.dma_semaphore, #tpu.memory_space<semaphore_mem>>
      %dma_start3A_107 = arith.constant 4880 : i32
      %dma_start3A_108 = tpu.memref_slice %arg10[%dma_start3A_107] : memref<10000xi32, #tpu.memory_space<vmem>> -> memref<80xi32, #tpu.memory_space<vmem>>
      %dma_start3A_109 = arith.constant 0 : i32
      %dma_start3A_110 = arith.constant 0 : i32
      %dma_start3A_111 = tpu.memref_slice %arg8[%dma_start3A_109, %dma_start3A_110] : memref<10240x128xf32, #tpu.memory_space<vmem_shared>> -> memref<10240x128xf32, #tpu.memory_space<vmem_shared>>
      tpu.enqueue_indirect_dma source(%arg12 : memref<80x128xf32, #tpu.memory_space<vmem>>) target(%dma_start3A_111 : memref<10240x128xf32, #tpu.memory_space<vmem_shared>>) offsets(%dma_start3A_108 : memref<80xi32, #tpu.memory_space<vmem>>) semaphore(%run_scoped3A : memref<!tpu.dma_semaphore, #tpu.memory_space<semaphore_mem>>) {add = true}
      %dma_wait3A_112 = arith.constant 4880 : i32
      %dma_wait3A_113 = tpu.memref_slice %arg10[%dma_wait3A_112] : memref<10000xi32, #tpu.memory_space<vmem>> -> memref<80xi32, #tpu.memory_space<vmem>>
      %dma_wait3A_114 = arith.constant 0 : i32
      %dma_wait3A_115 = arith.constant 0 : i32
      %dma_wait3A_116 = tpu.memref_slice %arg8[%dma_wait3A_114, %dma_wait3A_115] : memref<10240x128xf32, #tpu.memory_space<vmem_shared>> -> memref<10240x128xf32, #tpu.memory_space<vmem_shared>>
      tpu.wait_indirect_dma semaphore(%run_scoped3A : memref<!tpu.dma_semaphore, #tpu.memory_space<semaphore_mem>>) src(%arg12 : memref<80x128xf32, #tpu.memory_space<vmem>>) dst(%dma_wait3A_116 : memref<10240x128xf32, #tpu.memory_space<vmem_shared>>)
      tpu.yield
    }) : () -> ()
    %get3A_64 = arith.constant 4880 : index
    %get3A_65 = tpu.vector_load %arg10[%get3A_64] {strides = array<i32>} : memref<10000xi32, #tpu.memory_space<vmem>>, vector<16xi32>,
    tpu.vector_store_idx %arg13[%get3A_65], %broadcast_in_dim3A_16 {add = true} : memref<10240xf32, #tpu.memory_space<vmem>>[vector<16xi32>], vector<16xf32>,
    %get3A_66 = arith.constant 4896 : index
    %get3A_67 = tpu.vector_load %arg10[%get3A_66] {strides = array<i32>} : memref<10000xi32, #tpu.memory_space<vmem>>, vector<16xi32>,
    tpu.vector_store_idx %arg13[%get3A_67], %broadcast_in_dim3A_16 {add = true} : memref<10240xf32, #tpu.memory_space<vmem>>[vector<16xi32>], vector<16xf32>,
    %get3A_68 = arith.constant 4912 : index
    %get3A_69 = tpu.vector_load %arg10[%get3A_68] {strides = array<i32>} : memref<10000xi32, #tpu.memory_space<vmem>>, vector<16xi32>,
    tpu.vector_store_idx %arg13[%get3A_69], %broadcast_in_dim3A_16 {add = true} : memref<10240xf32, #tpu.memory_space<vmem>>[vector<16xi32>], vector<16xf32>,
    %get3A_70 = arith.constant 4928 : index
    %get3A_71 = tpu.vector_load %arg10[%get3A_70] {strides = array<i32>} : memref<10000xi32, #tpu.memory_space<vmem>>, vector<16xi32>,
    tpu.vector_store_idx %arg13[%get3A_71], %broadcast_in_dim3A_16 {add = true} : memref<10240xf32, #tpu.memory_space<vmem>>[vector<16xi32>], vector<16xf32>,
    %get3A_72 = arith.constant 4944 : index
    %get3A_73 = tpu.vector_load %arg10[%get3A_72] {strides = array<i32>} : memref<10000xi32, #tpu.memory_space<vmem>>, vector<16xi32>,
    tpu.vector_store_idx %arg13[%get3A_73], %broadcast_in_dim3A_16 {add = true} : memref<10240xf32, #tpu.memory_space<vmem>>[vector<16xi32>], vector<16xf32>,
    %add3A_74 = arith.constant 4960 : i32
    %add3A_75 = arith.addi %mul3A_4, %add3A_74 : i32
    "tpu.region"() ({
      %run_scoped3A = tpu.sem_alloc : memref<!tpu.dma_semaphore, #tpu.memory_space<semaphore_mem>>
      %dma_start3A_107 = arith.constant 0 : i32
      %dma_start3A_108 = tpu.memref_slice %arg9[%dma_start3A_107] : memref<5040xi32, #tpu.memory_space<vmem>> -> memref<5040xi32, #tpu.memory_space<vmem>>
      %dma_start3A_109 = tpu.memref_slice %arg3[%add3A_75] : memref<320000xi32, #tpu.memory_space<hbm>> -> memref<5040xi32, #tpu.memory_space<hbm>>
      %dma_start3A_110 = arith.constant 0 : i32
      %dma_start3A_111 = tpu.memref_slice %arg9[%dma_start3A_110] : memref<5040xi32, #tpu.memory_space<vmem>> -> memref<5040xi32, #tpu.memory_space<vmem>>
      %dma_start3A_112 = tpu.memref_slice %arg3[%add3A_75] : memref<320000xi32, #tpu.memory_space<hbm>> -> memref<5040xi32, #tpu.memory_space<hbm>>
      tpu.enqueue_dma source(%dma_start3A_112 : memref<5040xi32, #tpu.memory_space<hbm>>) target(%dma_start3A_111 : memref<5040xi32, #tpu.memory_space<vmem>>) target_semaphore(%run_scoped3A : memref<!tpu.dma_semaphore, #tpu.memory_space<semaphore_mem>>)
      %dma_wait3A_113 = arith.constant 0 : i32
      %dma_wait3A_114 = tpu.memref_slice %arg9[%dma_wait3A_113] : memref<5040xi32, #tpu.memory_space<vmem>> -> memref<5040xi32, #tpu.memory_space<vmem>>
      %dma_wait3A_115 = tpu.memref_slice %arg3[%add3A_75] : memref<320000xi32, #tpu.memory_space<hbm>> -> memref<5040xi32, #tpu.memory_space<hbm>>
      %dma_wait3A_116 = arith.constant 0 : i32
      %dma_wait3A_117 = tpu.memref_slice %arg9[%dma_wait3A_116] : memref<5040xi32, #tpu.memory_space<vmem>> -> memref<5040xi32, #tpu.memory_space<vmem>>
      %dma_wait3A_118 = tpu.memref_slice %arg3[%add3A_75] : memref<320000xi32, #tpu.memory_space<hbm>> -> memref<5040xi32, #tpu.memory_space<hbm>>
      tpu.wait_dma2 semaphore(%run_scoped3A : memref<!tpu.dma_semaphore, #tpu.memory_space<semaphore_mem>>) src(%dma_wait3A_118 : memref<5040xi32, #tpu.memory_space<hbm>>) dst(%dma_wait3A_117 : memref<5040xi32, #tpu.memory_space<vmem>>)
      tpu.yield
    }) : () -> ()
    %dma_start3A_76 = arith.constant 0 : i32
    %dma_start3A_77 = tpu.memref_slice %arg9[%dma_start3A_76] : memref<5040xi32, #tpu.memory_space<vmem>> -> memref<80xi32, #tpu.memory_space<vmem>>
    %dma_start3A_78 = arith.constant 0 : i32
    %dma_start3A_79 = arith.constant 0 : i32
    %dma_start3A_80 = tpu.memref_slice %arg2[%dma_start3A_78, %dma_start3A_79] : memref<10000x128xf32, #tpu.memory_space<hbm>> -> memref<10000x128xf32, #tpu.memory_space<hbm>>
    tpu.enqueue_indirect_dma source(%dma_start3A_80 : memref<10000x128xf32, #tpu.memory_space<hbm>>) target(%arg11 : memref<80x128xf32, #tpu.memory_space<vmem>>) offsets(%dma_start3A_77 : memref<80xi32, #tpu.memory_space<vmem>>) semaphore(%arg14 : memref<!tpu.dma_semaphore, #tpu.memory_space<semaphore_mem>>)
    %scan3A_81 = arith.constant 0 : i32
    %scan3A_82 = arith.constant 31 : i32
    %scan3A_83 = arith.addi %scan3A_81, %scan3A_82 : i32
    %scan3A_84 = arith.constant 1 : i32
    scf.for %scan3A_107 = %scan3A_81 to %scan3A_83 step %scan3A_84  : i32 {
      %mul3A_108 = arith.constant 2 : i32
      %mul3A_109 = arith.muli %scan3A_107, %mul3A_108 : i32
      %add3A_110 = arith.constant 62 : i32
      %add3A_111 = arith.addi %add3A_110, %mul3A_109 : i32
      %add3A_112 = arith.constant 1 : i32
      %add3A_113 = arith.addi %add3A_111, %add3A_112 : i32
      %sub3A = arith.constant 62 : i32
      %sub3A_114 = arith.subi %add3A_113, %sub3A : i32
      %mul3A_115 = arith.constant 80 : i32
      %mul3A_116 = arith.muli %sub3A_114, %mul3A_115 : i32
      %dma_start3A_117 = tpu.memref_slice %arg9[%mul3A_116] : memref<5040xi32, #tpu.memory_space<vmem>> -> memref<80xi32, #tpu.memory_space<vmem>>
      %dma_start3A_118 = arith.constant 0 : i32
      %dma_start3A_119 = arith.constant 0 : i32
      %dma_start3A_120 = tpu.memref_slice %arg2[%dma_start3A_118, %dma_start3A_119] : memref<10000x128xf32, #tpu.memory_space<hbm>> -> memref<10000x128xf32, #tpu.memory_space<hbm>>
      tpu.enqueue_indirect_dma source(%dma_start3A_120 : memref<10000x128xf32, #tpu.memory_space<hbm>>) target(%arg12 : memref<80x128xf32, #tpu.memory_space<vmem>>) offsets(%dma_start3A_117 : memref<80xi32, #tpu.memory_space<vmem>>) semaphore(%arg15 : memref<!tpu.dma_semaphore, #tpu.memory_space<semaphore_mem>>)
      %sub3A_121 = arith.constant 62 : i32
      %sub3A_122 = arith.subi %add3A_111, %sub3A_121 : i32
      %mul3A_123 = arith.constant 80 : i32
      %mul3A_124 = arith.muli %sub3A_122, %mul3A_123 : i32
      %dma_wait3A_125 = tpu.memref_slice %arg9[%mul3A_124] : memref<5040xi32, #tpu.memory_space<vmem>> -> memref<80xi32, #tpu.memory_space<vmem>>
      %dma_wait3A_126 = arith.constant 0 : i32
      %dma_wait3A_127 = arith.constant 0 : i32
      %dma_wait3A_128 = tpu.memref_slice %arg2[%dma_wait3A_126, %dma_wait3A_127] : memref<10000x128xf32, #tpu.memory_space<hbm>> -> memref<10000x128xf32, #tpu.memory_space<hbm>>
      tpu.wait_indirect_dma semaphore(%arg14 : memref<!tpu.dma_semaphore, #tpu.memory_space<semaphore_mem>>) src(%dma_wait3A_128 : memref<10000x128xf32, #tpu.memory_space<hbm>>) dst(%arg11 : memref<80x128xf32, #tpu.memory_space<vmem>>)
      %mul3A_129 = arith.constant 80 : i32
      %mul3A_130 = arith.muli %add3A_111, %mul3A_129 : i32
      "tpu.region"() ({
        %run_scoped3A = tpu.sem_alloc : memref<!tpu.dma_semaphore, #tpu.memory_space<semaphore_mem>>
        %dma_start3A_213 = tpu.memref_slice %arg10[%mul3A_130] : memref<10000xi32, #tpu.memory_space<vmem>> -> memref<80xi32, #tpu.memory_space<vmem>>
        %dma_start3A_214 = arith.constant 0 : i32
        %dma_start3A_215 = arith.constant 0 : i32
        %dma_start3A_216 = tpu.memref_slice %arg8[%dma_start3A_214, %dma_start3A_215] : memref<10240x128xf32, #tpu.memory_space<vmem_shared>> -> memref<10240x128xf32, #tpu.memory_space<vmem_shared>>
        tpu.enqueue_indirect_dma source(%arg11 : memref<80x128xf32, #tpu.memory_space<vmem>>) target(%dma_start3A_216 : memref<10240x128xf32, #tpu.memory_space<vmem_shared>>) offsets(%dma_start3A_213 : memref<80xi32, #tpu.memory_space<vmem>>) semaphore(%run_scoped3A : memref<!tpu.dma_semaphore, #tpu.memory_space<semaphore_mem>>) {add = true}
        %dma_wait3A_217 = tpu.memref_slice %arg10[%mul3A_130] : memref<10000xi32, #tpu.memory_space<vmem>> -> memref<80xi32, #tpu.memory_space<vmem>>
        %dma_wait3A_218 = arith.constant 0 : i32
        %dma_wait3A_219 = arith.constant 0 : i32
        %dma_wait3A_220 = tpu.memref_slice %arg8[%dma_wait3A_218, %dma_wait3A_219] : memref<10240x128xf32, #tpu.memory_space<vmem_shared>> -> memref<10240x128xf32, #tpu.memory_space<vmem_shared>>
        tpu.wait_indirect_dma semaphore(%run_scoped3A : memref<!tpu.dma_semaphore, #tpu.memory_space<semaphore_mem>>) src(%arg11 : memref<80x128xf32, #tpu.memory_space<vmem>>) dst(%dma_wait3A_220 : memref<10240x128xf32, #tpu.memory_space<vmem_shared>>)
        tpu.yield
      }) : () -> ()
      %mul3A_131 = arith.constant 80 : i32
      %mul3A_132 = arith.muli %add3A_111, %mul3A_131 : i32
      %add3A_133 = arith.constant 0 : i32
      %add3A_134 = arith.addi %mul3A_132, %add3A_133 : i32
      %get3A_135 = arith.index_cast %add3A_134 : i32 to index
      %get3A_136 = tpu.vector_load %arg10[%get3A_135] {strides = array<i32>} : memref<10000xi32, #tpu.memory_space<vmem>>, vector<16xi32>,
      tpu.vector_store_idx %arg13[%get3A_136], %broadcast_in_dim3A_16 {add = true} : memref<10240xf32, #tpu.memory_space<vmem>>[vector<16xi32>], vector<16xf32>,
      %mul3A_137 = arith.constant 80 : i32
      %mul3A_138 = arith.muli %add3A_111, %mul3A_137 : i32
      %add3A_139 = arith.constant 16 : i32
      %add3A_140 = arith.addi %mul3A_138, %add3A_139 : i32
      %get3A_141 = arith.index_cast %add3A_140 : i32 to index
      %get3A_142 = tpu.vector_load %arg10[%get3A_141] {strides = array<i32>} : memref<10000xi32, #tpu.memory_space<vmem>>, vector<16xi32>,
      tpu.vector_store_idx %arg13[%get3A_142], %broadcast_in_dim3A_16 {add = true} : memref<10240xf32, #tpu.memory_space<vmem>>[vector<16xi32>], vector<16xf32>,
      %mul3A_143 = arith.constant 80 : i32
      %mul3A_144 = arith.muli %add3A_111, %mul3A_143 : i32
      %add3A_145 = arith.constant 32 : i32
      %add3A_146 = arith.addi %mul3A_144, %add3A_145 : i32
      %get3A_147 = arith.index_cast %add3A_146 : i32 to index
      %get3A_148 = tpu.vector_load %arg10[%get3A_147] {strides = array<i32>} : memref<10000xi32, #tpu.memory_space<vmem>>, vector<16xi32>,
      tpu.vector_store_idx %arg13[%get3A_148], %broadcast_in_dim3A_16 {add = true} : memref<10240xf32, #tpu.memory_space<vmem>>[vector<16xi32>], vector<16xf32>,
      %mul3A_149 = arith.constant 80 : i32
      %mul3A_150 = arith.muli %add3A_111, %mul3A_149 : i32
      %add3A_151 = arith.constant 48 : i32
      %add3A_152 = arith.addi %mul3A_150, %add3A_151 : i32
      %get3A_153 = arith.index_cast %add3A_152 : i32 to index
      %get3A_154 = tpu.vector_load %arg10[%get3A_153] {strides = array<i32>} : memref<10000xi32, #tpu.memory_space<vmem>>, vector<16xi32>,
      tpu.vector_store_idx %arg13[%get3A_154], %broadcast_in_dim3A_16 {add = true} : memref<10240xf32, #tpu.memory_space<vmem>>[vector<16xi32>], vector<16xf32>,
      %mul3A_155 = arith.constant 80 : i32
      %mul3A_156 = arith.muli %add3A_111, %mul3A_155 : i32
      %add3A_157 = arith.constant 64 : i32
      %add3A_158 = arith.addi %mul3A_156, %add3A_157 : i32
      %get3A_159 = arith.index_cast %add3A_158 : i32 to index
      %get3A_160 = tpu.vector_load %arg10[%get3A_159] {strides = array<i32>} : memref<10000xi32, #tpu.memory_space<vmem>>, vector<16xi32>,
      tpu.vector_store_idx %arg13[%get3A_160], %broadcast_in_dim3A_16 {add = true} : memref<10240xf32, #tpu.memory_space<vmem>>[vector<16xi32>], vector<16xf32>,
      %add3A_161 = arith.constant 2 : i32
      %add3A_162 = arith.addi %add3A_111, %add3A_161 : i32
      %sub3A_163 = arith.constant 62 : i32
      %sub3A_164 = arith.subi %add3A_162, %sub3A_163 : i32
      %mul3A_165 = arith.constant 80 : i32
      %mul3A_166 = arith.muli %sub3A_164, %mul3A_165 : i32
      %dma_start3A_167 = tpu.memref_slice %arg9[%mul3A_166] : memref<5040xi32, #tpu.memory_space<vmem>> -> memref<80xi32, #tpu.memory_space<vmem>>
      %dma_start3A_168 = arith.constant 0 : i32
      %dma_start3A_169 = arith.constant 0 : i32
      %dma_start3A_170 = tpu.memref_slice %arg2[%dma_start3A_168, %dma_start3A_169] : memref<10000x128xf32, #tpu.memory_space<hbm>> -> memref<10000x128xf32, #tpu.memory_space<hbm>>
      tpu.enqueue_indirect_dma source(%dma_start3A_170 : memref<10000x128xf32, #tpu.memory_space<hbm>>) target(%arg11 : memref<80x128xf32, #tpu.memory_space<vmem>>) offsets(%dma_start3A_167 : memref<80xi32, #tpu.memory_space<vmem>>) semaphore(%arg14 : memref<!tpu.dma_semaphore, #tpu.memory_space<semaphore_mem>>)
      %add3A_171 = arith.constant 1 : i32
      %add3A_172 = arith.addi %add3A_111, %add3A_171 : i32
      %sub3A_173 = arith.constant 62 : i32
      %sub3A_174 = arith.subi %add3A_172, %sub3A_173 : i32
      %mul3A_175 = arith.constant 80 : i32
      %mul3A_176 = arith.muli %sub3A_174, %mul3A_175 : i32
      %dma_wait3A_177 = tpu.memref_slice %arg9[%mul3A_176] : memref<5040xi32, #tpu.memory_space<vmem>> -> memref<80xi32, #tpu.memory_space<vmem>>
      %dma_wait3A_178 = arith.constant 0 : i32
      %dma_wait3A_179 = arith.constant 0 : i32
      %dma_wait3A_180 = tpu.memref_slice %arg2[%dma_wait3A_178, %dma_wait3A_179] : memref<10000x128xf32, #tpu.memory_space<hbm>> -> memref<10000x128xf32, #tpu.memory_space<hbm>>
      tpu.wait_indirect_dma semaphore(%arg15 : memref<!tpu.dma_semaphore, #tpu.memory_space<semaphore_mem>>) src(%dma_wait3A_180 : memref<10000x128xf32, #tpu.memory_space<hbm>>) dst(%arg12 : memref<80x128xf32, #tpu.memory_space<vmem>>)
      %mul3A_181 = arith.constant 80 : i32
      %mul3A_182 = arith.muli %add3A_172, %mul3A_181 : i32
      "tpu.region"() ({
        %run_scoped3A = tpu.sem_alloc : memref<!tpu.dma_semaphore, #tpu.memory_space<semaphore_mem>>
        %dma_start3A_213 = tpu.memref_slice %arg10[%mul3A_182] : memref<10000xi32, #tpu.memory_space<vmem>> -> memref<80xi32, #tpu.memory_space<vmem>>
        %dma_start3A_214 = arith.constant 0 : i32
        %dma_start3A_215 = arith.constant 0 : i32
        %dma_start3A_216 = tpu.memref_slice %arg8[%dma_start3A_214, %dma_start3A_215] : memref<10240x128xf32, #tpu.memory_space<vmem_shared>> -> memref<10240x128xf32, #tpu.memory_space<vmem_shared>>
        tpu.enqueue_indirect_dma source(%arg12 : memref<80x128xf32, #tpu.memory_space<vmem>>) target(%dma_start3A_216 : memref<10240x128xf32, #tpu.memory_space<vmem_shared>>) offsets(%dma_start3A_213 : memref<80xi32, #tpu.memory_space<vmem>>) semaphore(%run_scoped3A : memref<!tpu.dma_semaphore, #tpu.memory_space<semaphore_mem>>) {add = true}
        %dma_wait3A_217 = tpu.memref_slice %arg10[%mul3A_182] : memref<10000xi32, #tpu.memory_space<vmem>> -> memref<80xi32, #tpu.memory_space<vmem>>
        %dma_wait3A_218 = arith.constant 0 : i32
        %dma_wait3A_219 = arith.constant 0 : i32
        %dma_wait3A_220 = tpu.memref_slice %arg8[%dma_wait3A_218, %dma_wait3A_219] : memref<10240x128xf32, #tpu.memory_space<vmem_shared>> -> memref<10240x128xf32, #tpu.memory_space<vmem_shared>>
        tpu.wait_indirect_dma semaphore(%run_scoped3A : memref<!tpu.dma_semaphore, #tpu.memory_space<semaphore_mem>>) src(%arg12 : memref<80x128xf32, #tpu.memory_space<vmem>>) dst(%dma_wait3A_220 : memref<10240x128xf32, #tpu.memory_space<vmem_shared>>)
        tpu.yield
      }) : () -> ()
      %mul3A_183 = arith.constant 80 : i32
      %mul3A_184 = arith.muli %add3A_172, %mul3A_183 : i32
      %add3A_185 = arith.constant 0 : i32
      %add3A_186 = arith.addi %mul3A_184, %add3A_185 : i32
      %get3A_187 = arith.index_cast %add3A_186 : i32 to index
      %get3A_188 = tpu.vector_load %arg10[%get3A_187] {strides = array<i32>} : memref<10000xi32, #tpu.memory_space<vmem>>, vector<16xi32>,
      tpu.vector_store_idx %arg13[%get3A_188], %broadcast_in_dim3A_16 {add = true} : memref<10240xf32, #tpu.memory_space<vmem>>[vector<16xi32>], vector<16xf32>,
      %mul3A_189 = arith.constant 80 : i32
      %mul3A_190 = arith.muli %add3A_172, %mul3A_189 : i32
      %add3A_191 = arith.constant 16 : i32
      %add3A_192 = arith.addi %mul3A_190, %add3A_191 : i32
      %get3A_193 = arith.index_cast %add3A_192 : i32 to index
      %get3A_194 = tpu.vector_load %arg10[%get3A_193] {strides = array<i32>} : memref<10000xi32, #tpu.memory_space<vmem>>, vector<16xi32>,
      tpu.vector_store_idx %arg13[%get3A_194], %broadcast_in_dim3A_16 {add = true} : memref<10240xf32, #tpu.memory_space<vmem>>[vector<16xi32>], vector<16xf32>,
      %mul3A_195 = arith.constant 80 : i32
      %mul3A_196 = arith.muli %add3A_172, %mul3A_195 : i32
      %add3A_197 = arith.constant 32 : i32
      %add3A_198 = arith.addi %mul3A_196, %add3A_197 : i32
      %get3A_199 = arith.index_cast %add3A_198 : i32 to index
      %get3A_200 = tpu.vector_load %arg10[%get3A_199] {strides = array<i32>} : memref<10000xi32, #tpu.memory_space<vmem>>, vector<16xi32>,
      tpu.vector_store_idx %arg13[%get3A_200], %broadcast_in_dim3A_16 {add = true} : memref<10240xf32, #tpu.memory_space<vmem>>[vector<16xi32>], vector<16xf32>,
      %mul3A_201 = arith.constant 80 : i32
      %mul3A_202 = arith.muli %add3A_172, %mul3A_201 : i32
      %add3A_203 = arith.constant 48 : i32
      %add3A_204 = arith.addi %mul3A_202, %add3A_203 : i32
      %get3A_205 = arith.index_cast %add3A_204 : i32 to index
      %get3A_206 = tpu.vector_load %arg10[%get3A_205] {strides = array<i32>} : memref<10000xi32, #tpu.memory_space<vmem>>, vector<16xi32>,
      tpu.vector_store_idx %arg13[%get3A_206], %broadcast_in_dim3A_16 {add = true} : memref<10240xf32, #tpu.memory_space<vmem>>[vector<16xi32>], vector<16xf32>,
      %mul3A_207 = arith.constant 80 : i32
      %mul3A_208 = arith.muli %add3A_172, %mul3A_207 : i32
      %add3A_209 = arith.constant 64 : i32
      %add3A_210 = arith.addi %mul3A_208, %add3A_209 : i32
      %get3A_211 = arith.index_cast %add3A_210 : i32 to index
      %get3A_212 = tpu.vector_load %arg10[%get3A_211] {strides = array<i32>} : memref<10000xi32, #tpu.memory_space<vmem>>, vector<16xi32>,
      tpu.vector_store_idx %arg13[%get3A_212], %broadcast_in_dim3A_16 {add = true} : memref<10240xf32, #tpu.memory_space<vmem>>[vector<16xi32>], vector<16xf32>,
    }
    %scan3A_85 = arith.constant 31 : i32
    %dma_wait3A_86 = arith.constant 4960 : i32
    %dma_wait3A_87 = tpu.memref_slice %arg9[%dma_wait3A_86] : memref<5040xi32, #tpu.memory_space<vmem>> -> memref<80xi32, #tpu.memory_space<vmem>>
    %dma_wait3A_88 = arith.constant 0 : i32
    %dma_wait3A_89 = arith.constant 0 : i32
    %dma_wait3A_90 = tpu.memref_slice %arg2[%dma_wait3A_88, %dma_wait3A_89] : memref<10000x128xf32, #tpu.memory_space<hbm>> -> memref<10000x128xf32, #tpu.memory_space<hbm>>
    tpu.wait_indirect_dma semaphore(%arg14 : memref<!tpu.dma_semaphore, #tpu.memory_space<semaphore_mem>>) src(%dma_wait3A_90 : memref<10000x128xf32, #tpu.memory_space<hbm>>) dst(%arg11 : memref<80x128xf32, #tpu.memory_space<vmem>>)
    "tpu.region"() ({
      %run_scoped3A = tpu.sem_alloc : memref<!tpu.dma_semaphore, #tpu.memory_space<semaphore_mem>>
      %dma_start3A_107 = arith.constant 9920 : i32
      %dma_start3A_108 = tpu.memref_slice %arg10[%dma_start3A_107] : memref<10000xi32, #tpu.memory_space<vmem>> -> memref<80xi32, #tpu.memory_space<vmem>>
      %dma_start3A_109 = arith.constant 0 : i32
      %dma_start3A_110 = arith.constant 0 : i32
      %dma_start3A_111 = tpu.memref_slice %arg8[%dma_start3A_109, %dma_start3A_110] : memref<10240x128xf32, #tpu.memory_space<vmem_shared>> -> memref<10240x128xf32, #tpu.memory_space<vmem_shared>>
      tpu.enqueue_indirect_dma source(%arg11 : memref<80x128xf32, #tpu.memory_space<vmem>>) target(%dma_start3A_111 : memref<10240x128xf32, #tpu.memory_space<vmem_shared>>) offsets(%dma_start3A_108 : memref<80xi32, #tpu.memory_space<vmem>>) semaphore(%run_scoped3A : memref<!tpu.dma_semaphore, #tpu.memory_space<semaphore_mem>>) {add = true}
      %dma_wait3A_112 = arith.constant 9920 : i32
      %dma_wait3A_113 = tpu.memref_slice %arg10[%dma_wait3A_112] : memref<10000xi32, #tpu.memory_space<vmem>> -> memref<80xi32, #tpu.memory_space<vmem>>
      %dma_wait3A_114 = arith.constant 0 : i32
      %dma_wait3A_115 = arith.constant 0 : i32
      %dma_wait3A_116 = tpu.memref_slice %arg8[%dma_wait3A_114, %dma_wait3A_115] : memref<10240x128xf32, #tpu.memory_space<vmem_shared>> -> memref<10240x128xf32, #tpu.memory_space<vmem_shared>>
      tpu.wait_indirect_dma semaphore(%run_scoped3A : memref<!tpu.dma_semaphore, #tpu.memory_space<semaphore_mem>>) src(%arg11 : memref<80x128xf32, #tpu.memory_space<vmem>>) dst(%dma_wait3A_116 : memref<10240x128xf32, #tpu.memory_space<vmem_shared>>)
      tpu.yield
    }) : () -> ()
    %get3A_91 = arith.constant 9920 : index
    %get3A_92 = tpu.vector_load %arg10[%get3A_91] {strides = array<i32>} : memref<10000xi32, #tpu.memory_space<vmem>>, vector<16xi32>,
    tpu.vector_store_idx %arg13[%get3A_92], %broadcast_in_dim3A_16 {add = true} : memref<10240xf32, #tpu.memory_space<vmem>>[vector<16xi32>], vector<16xf32>,
    %get3A_93 = arith.constant 9936 : index
    %get3A_94 = tpu.vector_load %arg10[%get3A_93] {strides = array<i32>} : memref<10000xi32, #tpu.memory_space<vmem>>, vector<16xi32>,
    tpu.vector_store_idx %arg13[%get3A_94], %broadcast_in_dim3A_16 {add = true} : memref<10240xf32, #tpu.memory_space<vmem>>[vector<16xi32>], vector<16xf32>,
    %get3A_95 = arith.constant 9952 : index
    %get3A_96 = tpu.vector_load %arg10[%get3A_95] {strides = array<i32>} : memref<10000xi32, #tpu.memory_space<vmem>>, vector<16xi32>,
    tpu.vector_store_idx %arg13[%get3A_96], %broadcast_in_dim3A_16 {add = true} : memref<10240xf32, #tpu.memory_space<vmem>>[vector<16xi32>], vector<16xf32>,
    %get3A_97 = arith.constant 9968 : index
    %get3A_98 = tpu.vector_load %arg10[%get3A_97] {strides = array<i32>} : memref<10000xi32, #tpu.memory_space<vmem>>, vector<16xi32>,
    tpu.vector_store_idx %arg13[%get3A_98], %broadcast_in_dim3A_16 {add = true} : memref<10240xf32, #tpu.memory_space<vmem>>[vector<16xi32>], vector<16xf32>,
    %get3A_99 = arith.constant 9984 : index
    %get3A_100 = tpu.vector_load %arg10[%get3A_99] {strides = array<i32>} : memref<10000xi32, #tpu.memory_space<vmem>>, vector<16xi32>,
    tpu.vector_store_idx %arg13[%get3A_100], %broadcast_in_dim3A_16 {add = true} : memref<10240xf32, #tpu.memory_space<vmem>>[vector<16xi32>], vector<16xf32>,
    %barrier3A_101 = arith.constant 0 : index
    tpu.barrier barrier_id(%barrier3A_101)
    %mul3A_102 = arith.constant 10240 : i32
    %mul3A_103 = arith.muli %arg0, %mul3A_102 : i32
    %add3A_104 = arith.addi %mul3A_103, %mul3A_2 : i32
    "tpu.region"() ({
      %run_scoped3A = tpu.sem_alloc : memref<!tpu.dma_semaphore, #tpu.memory_space<semaphore_mem>>
      %dma_start3A_107 = arith.constant 0 : i32
      %dma_start3A_108 = tpu.memref_slice %arg6[%add3A_104, %dma_start3A_107] : memref<20480x128xf32, #tpu.memory_space<hbm>> -> memref<640x128xf32, #tpu.memory_space<hbm>>
      %dma_start3A_109 = arith.constant 0 : i32
      %dma_start3A_110 = tpu.memref_slice %arg8[%mul3A_2, %dma_start3A_109] : memref<10240x128xf32, #tpu.memory_space<vmem_shared>> -> memref<640x128xf32, #tpu.memory_space<vmem_shared>>
      tpu.enqueue_dma source(%dma_start3A_110 : memref<640x128xf32, #tpu.memory_space<vmem_shared>>) target(%dma_start3A_108 : memref<640x128xf32, #tpu.memory_space<hbm>>) target_semaphore(%run_scoped3A : memref<!tpu.dma_semaphore, #tpu.memory_space<semaphore_mem>>)
      %dma_wait3A_111 = arith.constant 0 : i32
      %dma_wait3A_112 = tpu.memref_slice %arg6[%add3A_104, %dma_wait3A_111] : memref<20480x128xf32, #tpu.memory_space<hbm>> -> memref<640x128xf32, #tpu.memory_space<hbm>>
      %dma_wait3A_113 = arith.constant 0 : i32
      %dma_wait3A_114 = tpu.memref_slice %arg8[%mul3A_2, %dma_wait3A_113] : memref<10240x128xf32, #tpu.memory_space<vmem_shared>> -> memref<640x128xf32, #tpu.memory_space<vmem_shared>>
      tpu.wait_dma2 semaphore(%run_scoped3A : memref<!tpu.dma_semaphore, #tpu.memory_space<semaphore_mem>>) src(%dma_wait3A_114 : memref<640x128xf32, #tpu.memory_space<vmem_shared>>) dst(%dma_wait3A_112 : memref<640x128xf32, #tpu.memory_space<hbm>>)
      tpu.yield
    }) : () -> ()
    %mul3A_105 = arith.constant 10240 : i32
    %mul3A_106 = arith.muli %add3A, %mul3A_105 : i32
    "tpu.region"() ({
      %run_scoped3A = tpu.sem_alloc : memref<!tpu.dma_semaphore, #tpu.memory_space<semaphore_mem>>
      %dma_start3A_107 = tpu.memref_slice %arg7[%mul3A_106] : memref<327680xf32, #tpu.memory_space<hbm>> -> memref<10240xf32, #tpu.memory_space<hbm>>
      %dma_start3A_108 = tpu.memref_slice %arg7[%mul3A_106] : memref<327680xf32, #tpu.memory_space<hbm>> -> memref<10240xf32, #tpu.memory_space<hbm>>
      tpu.enqueue_dma source(%arg13 : memref<10240xf32, #tpu.memory_space<vmem>>) target(%dma_start3A_108 : memref<10240xf32, #tpu.memory_space<hbm>>) target_semaphore(%run_scoped3A : memref<!tpu.dma_semaphore, #tpu.memory_space<semaphore_mem>>)
      %dma_wait3A_109 = tpu.memref_slice %arg7[%mul3A_106] : memref<327680xf32, #tpu.memory_space<hbm>> -> memref<10240xf32, #tpu.memory_space<hbm>>
      %dma_wait3A_110 = tpu.memref_slice %arg7[%mul3A_106] : memref<327680xf32, #tpu.memory_space<hbm>> -> memref<10240xf32, #tpu.memory_space<hbm>>
      tpu.wait_dma2 semaphore(%run_scoped3A : memref<!tpu.dma_semaphore, #tpu.memory_space<semaphore_mem>>) src(%arg13 : memref<10240xf32, #tpu.memory_space<vmem>>) dst(%dma_wait3A_110 : memref<10240xf32, #tpu.memory_space<hbm>>)
      tpu.yield
    }) : () -> ()
    return
  }
}

module attributes {stable_mosaic.version = 14 : i64} {
  func.func @body(%arg0: i32, %arg1: memref<1280x128xf32, #tpu.memory_space<vmem>>, %arg2: memref<2x1280x128xf32, #tpu.memory_space<vmem>>, %arg3: memref<32x1280xf32, #tpu.memory_space<vmem>>, %arg4: memref<128x128xf32, #tpu.memory_space<vmem>>, %arg5: memref<128x128xf32, #tpu.memory_space<vmem>>, %arg6: memref<1x128xf32, #tpu.memory_space<vmem>>, %arg7: memref<1280x128xf32, #tpu.memory_space<vmem>>) attributes {dimension_semantics = [#tpu.dimension_semantics<arbitrary>], iteration_bounds = array<i64: 8>, scalar_prefetch = 0 : i64, scratch_operands = 0 : i64, tpu.core_type = #tpu.core_type<tc>, window_params = [{transform_indices = @transform_0, window_bounds = array<i64: 1280, 128>}, {transform_indices = @transform_1, window_bounds = array<i64: 2, 1280, 128>}, {transform_indices = @transform_2, window_bounds = array<i64: 32, 1280>}, {pipeline_mode = #tpu.pipeline_mode<synchronous>, transform_indices = @transform_3, window_bounds = array<i64: 128, 128>}, {pipeline_mode = #tpu.pipeline_mode<synchronous>, transform_indices = @transform_4, window_bounds = array<i64: 128, 128>}, {pipeline_mode = #tpu.pipeline_mode<synchronous>, transform_indices = @transform_5, window_bounds = array<i64: 1, 128>}, {transform_indices = @transform_6, window_bounds = array<i64: 1280, 128>}]} {
    %get3A = arith.constant 0 : index
    %get3A_0 = arith.constant 0 : index
    %get3A_1 = arith.constant 0 : index
    %get3A_2 = vector.load %arg2[%get3A, %get3A_0, %get3A_1] : memref<2x1280x128xf32, #tpu.memory_space<vmem>>, vector<1x1280x128xf32>
    %get3A_3 = vector.shape_cast %get3A_2 : vector<1x1280x128xf32> to vector<1280x128xf32>
    %get3A_4 = arith.constant 1 : index
    %get3A_5 = arith.constant 0 : index
    %get3A_6 = arith.constant 0 : index
    %get3A_7 = vector.load %arg2[%get3A_4, %get3A_5, %get3A_6] : memref<2x1280x128xf32, #tpu.memory_space<vmem>>, vector<1x1280x128xf32>
    %get3A_8 = vector.shape_cast %get3A_7 : vector<1x1280x128xf32> to vector<1280x128xf32>
    %add3A = arith.addf %get3A_3, %get3A_8 : vector<1280x128xf32>
    %get3A_9 = arith.constant 0 : index
    %get3A_10 = arith.constant 0 : index
    %get3A_11 = vector.load %arg3[%get3A_9, %get3A_10] : memref<32x1280xf32, #tpu.memory_space<vmem>>, vector<32x1280xf32>
    %reduce_sum3A = arith.constant dense<0.000000e+00> : vector<1280xf32>
    %reduce_sum3A_12 = vector.multi_reduction <add>, %get3A_11, %reduce_sum3A [0] : vector<32x1280xf32> to vector<1280xf32>
    %max3A = arith.constant 1.000000e+00 : f32
    %max3A_13 = vector.broadcast %max3A : f32 to vector<1280xf32>
    %max3A_14 = arith.maximumf %reduce_sum3A_12, %max3A_13 : vector<1280xf32>
    %div3A = arith.constant 1.000000e+00 : f32
    %div3A_15 = vector.broadcast %div3A : f32 to vector<1280xf32>
    %div3A_16 = arith.divf %div3A_15, %max3A_14 : vector<1280xf32>
    %get3A_17 = arith.constant 0 : index
    %get3A_18 = arith.constant 0 : index
    %get3A_19 = vector.load %arg1[%get3A_17, %get3A_18] : memref<1280x128xf32, #tpu.memory_space<vmem>>, vector<1280x128xf32>
    %get3A_20 = arith.constant 0 : index
    %get3A_21 = arith.constant 0 : index
    %get3A_22 = vector.load %arg4[%get3A_20, %get3A_21] : memref<128x128xf32, #tpu.memory_space<vmem>>, vector<128x128xf32>
    %dot_general3A = arith.constant dense<0.000000e+00> : vector<1280x128xf32>
    %dot_general3A_23 = tpu.matmul %get3A_19, %get3A_22, %dot_general3A {dimension_numbers = #tpu.dot_dimension_numbers<[1], [0], [0], [1], [0, 0, 1, 1], [], []>, transpose_lhs_hint = false} : vector<1280x128xf32>, vector<128x128xf32>, vector<1280x128xf32> -> vector<1280x128xf32>
    %get3A_24 = arith.constant 0 : index
    %get3A_25 = arith.constant 0 : index
    %get3A_26 = vector.load %arg5[%get3A_24, %get3A_25] : memref<128x128xf32, #tpu.memory_space<vmem>>, vector<128x128xf32>
    %dot_general3A_27 = arith.constant dense<0.000000e+00> : vector<1280x128xf32>
    %dot_general3A_28 = tpu.matmul %add3A, %get3A_26, %dot_general3A_27 {dimension_numbers = #tpu.dot_dimension_numbers<[1], [0], [0], [1], [0, 0, 1, 1], [], []>, transpose_lhs_hint = false} : vector<1280x128xf32>, vector<128x128xf32>, vector<1280x128xf32> -> vector<1280x128xf32>
    %broadcast_in_dim3A = vector.shape_cast %div3A_16 : vector<1280xf32> to vector<1280x1xf32>
    %mul3A = vector.broadcast %broadcast_in_dim3A : vector<1280x1xf32> to vector<1280x128xf32>
    %mul3A_29 = arith.mulf %dot_general3A_28, %mul3A : vector<1280x128xf32>
    %add3A_30 = arith.addf %dot_general3A_23, %mul3A_29 : vector<1280x128xf32>
    %get3A_31 = arith.constant 0 : index
    %get3A_32 = arith.constant 0 : index
    %get3A_33 = vector.load %arg6[%get3A_31, %get3A_32] : memref<1x128xf32, #tpu.memory_space<vmem>>, vector<1x128xf32>
    %add3A_34 = vector.broadcast %get3A_33 : vector<1x128xf32> to vector<1280x128xf32>
    %add3A_35 = arith.addf %add3A_30, %add3A_34 : vector<1280x128xf32>
    %max3A_36 = arith.constant 0.000000e+00 : f32
    %max3A_37 = vector.broadcast %max3A_36 : f32 to vector<1280x128xf32>
    %max3A_38 = arith.maximumf %add3A_35, %max3A_37 : vector<1280x128xf32>
    %swap3A = arith.constant 0 : index
    %swap3A_39 = arith.constant 0 : index
    %swap3A_40 = vector.load %arg7[%swap3A, %swap3A_39] : memref<1280x128xf32, #tpu.memory_space<vmem>>, vector<1280x128xf32>
    tpu.vector_store %arg7[%swap3A, %swap3A_39], %max3A_38 {strides = array<i32>} : memref<1280x128xf32, #tpu.memory_space<vmem>>, vector<1280x128xf32>,
    return
  }
  func.func @transform_0(%arg0: i32) -> (i32, i32) {
    %c0_i32 = arith.constant 0 : i32
    %c0_i32_0 = arith.constant 0 : i32
    return %arg0, %c0_i32 : i32, i32
  }
  func.func @transform_1(%arg0: i32) -> (i32, i32, i32) {
    %c0_i32 = arith.constant 0 : i32
    %c0_i32_0 = arith.constant 0 : i32
    %c0_i32_1 = arith.constant 0 : i32
    return %c0_i32, %arg0, %c0_i32_0 : i32, i32, i32
  }
  func.func @transform_2(%arg0: i32) -> (i32, i32) {
    %c0_i32 = arith.constant 0 : i32
    %c0_i32_0 = arith.constant 0 : i32
    return %c0_i32, %arg0 : i32, i32
  }
  func.func @transform_3(%arg0: i32) -> (i32, i32) {
    %c0_i32 = arith.constant 0 : i32
    %c0_i32_0 = arith.constant 0 : i32
    %c0_i32_1 = arith.constant 0 : i32
    return %c0_i32, %c0_i32_0 : i32, i32
  }
  func.func @transform_4(%arg0: i32) -> (i32, i32) {
    %c0_i32 = arith.constant 0 : i32
    %c0_i32_0 = arith.constant 0 : i32
    %c0_i32_1 = arith.constant 0 : i32
    return %c0_i32, %c0_i32_0 : i32, i32
  }
  func.func @transform_5(%arg0: i32) -> (i32, i32) {
    %c0_i32 = arith.constant 0 : i32
    %c0_i32_0 = arith.constant 0 : i32
    %c0_i32_1 = arith.constant 0 : i32
    return %c0_i32, %c0_i32_0 : i32, i32
  }
  func.func @transform_6(%arg0: i32) -> (i32, i32) {
    %c0_i32 = arith.constant 0 : i32
    %c0_i32_0 = arith.constant 0 : i32
    return %arg0, %c0_i32 : i32, i32
  }
}

</mosaic_0001>

<sc_bundles>
// kernel: kernel.4.cloned.1.call-start
scs
__scs_entry_jumppad:
0x0: {  	(pc) =	sbr.rel $0x88, $3  }
0x1: {  	(tag) =	ssettag $0x0;
	lr =	simm.s32 $0x1  }
0x2: {  	[smem:$0x3F9C] =	sst lr;
	_ =	strace $0xD0000000  }
0x3: {  	_ = 	snop  }
0x4: {  	_ = 	snop  }
0x5: {  	_ = 	snop  }
0x6: {  	_ = 	snop  }
0x7: {  	_ = 	snop  }
__scs_overlays_trampoline_lowered:
0x8: {  	[smem:$0x3FAB] =	sst s0  }
0x9: {  	[smem:$0x3FAC] =	sst s1  }
0xa: {  	[smem:$0x3FAD] =	sst s2  }
0xb: {  	[smem:$0x3FAE] =	sst s3  }
0xc: {  	[smem:$0x3FAF] =	sst s4  }
0xd: {  	[smem:$0x3FB0] =	sst s5  }
0xe: {  	[smem:$0x3FB1] =	sst s6  }
0xf: {  	[smem:$0x3FB2] =	sst s7  }
0x10: {  	[smem:$0x3FB3] =	sst s8  }
0x11: {  	[smem:$0x3FB4] =	sst s9;
	s0 =	simm.s32 @!p0 $0x0  }
0x12: {  	s1 =	sld [smem:$0x3F9A];
	s0 =	simm.s32 @p0 $0x1  }
0x13: {  	[smem:$0x3FB5] =	sst s0;
	s0 =	simm.s32 @!p1 $0x0  }
0x14: {  	s2 =	sld [smem:$0x3F99];
	s0 =	simm.s32 @p1 $0x1  }
0x15: {  	[smem:$0x3FB6] =	sst s0;
	s0 =	simm.s32 @!p2 $0x0  }
0x16: {  	s3 =	sld [smem:$0x3FDB];
	s0 =	simm.s32 @p2 $0x1  }
0x17: {  	s4 =	simm.s32 $0x1BF5;
	[smem:$0x3FB8] =	sst s0  }
0x18: {  	s0 =	sld [smem:$0x3F9B];
	_ =	swait.ge [sflag:s4], $0x0  }
0x19: {  	s7 =	sld [smem:$0x3F9C]  }
0x1a: {  	s8 =	sadd.s32 $0xFFFFE003, lr  }
0x1b: {  	s9 =	sadd.s32 $0xFFFFFEF7, lr;
	s5 =	simm.s32 $0xFFFFFFFF;
	p2 =	slt.u32 s8, $0xFFFFF086  }
0x1c: {  	p1 =	slt.u32 s9, $0xF7A;
	s5 =	simm.s32 @!p2 $0x0  }
0x1d: {  	s5 =	simm.s32 @p1 $0x1;
	p0 =	seq.s32 s7, s2  }
0x1e: {  	s7 =	smul.u32 @!p0 $0xF7A, s2;
	p2 =	seq.s32 @!p0 s5, $0x0  }
0x1f: {  	s9 =	smul.u32 $0xF7A, s1;
	s8 =	simm.s32 @!p0 $0x1BF5;
	p2 =	por !p2, p0  }
0x20: {  	[sflag:s8] =	ssyncset.s32 @!p0 $0xFFFFF086;
	s6 =	sadd.s32 @!p0 s3, s7;
	s7 =	simm.s32 @!p0 $0x108  }
0x21: {  	s3 =	sadd.s32 s3, s9;
	s6 =	sadd.s32 @!p0 $0x88, s6;
	s7 =	simm.s32 @p2 $0x1082  }
0x22: {  	[simem:s7], [sflag:s8] =	dma.local @!p0 [hbm:s6], $0xF7A  }
0x23: {  	s9 =	sor.u32 $0xD0000000, s2;
	s6 =	simm.s32 $0x108;
	_ =	swait.ge @!p0 [sflag:s8], $0x0  }
0x24: {  	s3 =	sadd.s32 $0x88, s3;
	s6 =	simm.s32 @!p1 $0x1082;
	[sflag:s4] =	ssyncset.s32 $0xFFFFF086  }
0x25: {  	[simem:s6], [sflag:s4] =	dma.local [hbm:s3], $0xF7A  }
0x26: {  	[smem:$0x3F9C] =	sst s1;
	(tag) =	ssettag s2;
	_ =	strace s9  }
0x27: {  	s1 =	sld [smem:$0x3FAC]  }
0x28: {  	s2 =	sld [smem:$0x3FAD]  }
0x29: {  	s4 =	sld [smem:$0x3FAF]  }
0x2a: {  	p0 =	seq.s32 s5, $0x0;
	s5 =	sld [smem:$0x3FB0]  }
0x2b: {  	s6 =	sld [smem:$0x3FB1]  }
0x2c: {  	s7 =	sld [smem:$0x3FB2]  }
0x2d: {  	s3 =	simm.s32 $0x108;
	s8 =	sld [smem:$0x3FB3]  }
0x2e: {  	s3 =	simm.s32 @!p0 $0x1082;
	s9 =	sld [smem:$0x3FB4]  }
0x2f: {  	lr =	sadd.s32 s0, s3;
	s0 =	sld [smem:$0x3FAB]  }
0x30: {  	s3 =	sld [smem:$0x3FAE]  }
0x31: {  	[smem:$0x3FB7] =	sst s10  }
0x32: {  	s10 =	sld [smem:$0x3FB5];
	_ =	sdelay $0x3  }
0x33: {  	p0 =	seq.s32 s10, $0x1;
	s10 =	sld [smem:$0x3FB7];
	_ =	sdelay $0x3  }
0x34: {  	[smem:$0x3FB7] =	sst s10  }
0x35: {  	s10 =	sld [smem:$0x3FB6];
	_ =	sdelay $0x3  }
0x36: {  	p1 =	seq.s32 s10, $0x1;
	s10 =	sld [smem:$0x3FB7];
	_ =	sdelay $0x3  }
0x37: {  	[smem:$0x3FB7] =	sst s10  }
0x38: {  	s10 =	sld [smem:$0x3FB8]  }
0x39: {  	_ = 	snop;
	(pc) =	sbr.ind lr, $3  }
0x3a: {  	_ = 	snop  }
0x3b: {  	_ = 	snop  }
0x3c: {  	p2 =	seq.s32 s10, $0x1;
	s10 =	sld [smem:$0x3FB7]  }
0x3d: {  	_ =	shalt  }
0x3e: {  	_ =	shalt  }
0x3f: {  	_ =	shalt  }
0x40: {  	_ =	shalt  }
0x41: {  	_ =	shalt  }
0x42: {  	_ =	shalt  }
0x43: {  	_ =	shalt  }
0x44: {  	_ =	shalt  }
0x45: {  	_ =	shalt  }
0x46: {  	_ =	shalt  }
0x47: {  	_ =	shalt  }
0x48: {  	_ =	shalt  }
0x49: {  	_ =	shalt  }
0x4a: {  	_ =	shalt  }
0x4b: {  	_ =	shalt  }
0x4c: {  	_ =	shalt  }
0x4d: {  	_ =	shalt  }
0x4e: {  	_ =	shalt  }
0x4f: {  	_ =	shalt  }
0x50: {  	_ =	shalt  }
0x51: {  	_ =	shalt  }
0x52: {  	_ =	shalt  }
0x53: {  	_ =	shalt  }
0x54: {  	_ =	shalt  }
0x55: {  	_ =	shalt  }
0x56: {  	_ =	shalt  }
0x57: {  	_ =	shalt  }
0x58: {  	_ =	shalt  }
0x59: {  	_ =	shalt  }
0x5a: {  	_ =	shalt  }
0x5b: {  	_ =	shalt  }
0x5c: {  	_ =	shalt  }
0x5d: {  	_ =	shalt  }
0x5e: {  	_ =	shalt  }
0x5f: {  	_ =	shalt  }
0x60: {  	_ =	shalt  }
0x61: {  	_ =	shalt  }
0x62: {  	_ =	shalt  }
0x63: {  	_ =	shalt  }
0x64: {  	_ =	shalt  }
0x65: {  	_ =	shalt  }
0x66: {  	_ =	shalt  }
0x67: {  	_ =	shalt  }
0x68: {  	_ =	shalt  }
0x69: {  	_ =	shalt  }
0x6a: {  	_ =	shalt  }
0x6b: {  	_ =	shalt  }
0x6c: {  	_ =	shalt  }
0x6d: {  	_ =	shalt  }
0x6e: {  	_ =	shalt  }
0x6f: {  	_ =	shalt  }
0x70: {  	_ =	shalt  }
0x71: {  	_ =	shalt  }
0x72: {  	_ =	shalt  }
0x73: {  	_ =	shalt  }
0x74: {  	_ =	shalt  }
0x75: {  	_ =	shalt  }
0x76: {  	_ =	shalt  }
0x77: {  	_ =	shalt  }
0x78: {  	_ =	shalt  }
0x79: {  	_ =	shalt  }
0x7a: {  	_ =	shalt  }
0x7b: {  	_ =	shalt  }
0x7c: {  	_ =	shalt  }
0x7d: {  	_ =	shalt  }
0x7e: {  	_ =	shalt  }
0x7f: {  	_ =	shalt  }
0x80: {  	_ =	shalt  }
0x81: {  	_ =	shalt  }
0x82: {  	_ =	shalt  }
0x83: {  	_ =	shalt  }
0x84: {  	_ =	shalt  }
0x85: {  	_ =	shalt  }
0x86: {  	_ =	shalt  }
0x87: {  	_ =	shalt  }
.Lfunc_end0:
.L_simem_size_0:
called_computation_lowered:
.L_overlay_start_0:
0x88: {  	s2 =	sld [smem:$0x3FD9]  }
0x89: {  	s3 =	sld [smem:$0x3FFE];
	_ =	sdelay $0x1  }
0x8a: {  	s1 =	srdreg.scid  }
0x8b: {  	s0 =	sand.u32 $0x1, s1  }
0x8c: {  	s17 =	sshll.u32 s0, $0xA;
	s2 =	sadd.s32 s3, s2  }
0x8d: {  	s2 =	sadd.s32 s2, s17  }
0x8e: {  	[smem:$0x3FC3] =	sst s2  }
0x8f: {  	_ = 	snop  }
0x90: {  	s2 =	sld [smem:$0x3FC9]  }
0x91: {  	s18 =	sld [smem:$0x3FD0];
	(tm) =	ssettm $0x1  }
0x92: {  	s4 =	sld [smem:$0x3FFB];
	_ =	sdelay $0x3  }
0x93: {  	_ =	strace s4  }
0x94: {  	s4 =	sld [smem:$0x3FFC];
	_ =	sdelay $0x3  }
0x95: {  	_ =	strace s4  }
0x96: {  	s4 =	sld [smem:$0x3FFD];
	_ =	sdelay $0x3  }
0x97: {  	_ =	strace s4  }
0x98: {  	_ =	strace $0x8FFFFFFF  }
0x99: {  	s19 =	sld [smem:$0x3FDB];
	_ =	sdelay $0x1  }
0x9a: {  	s5 =	simm.s32 $_scs_section_size  }
0x9b: {  	s6 =	simm.s32 $_size__tile_overlayer_lowered;
	s7 =	simm.s32 $_tile_overlayer_lowered  }
0x9c: {  	s22 =	simm.s32 $0x1BFF;
	s21 =	sshll.u32 s7, $0x1;
	s4 =	sadd.s32 s5, s19  }
0x9d: {  	s8 =	simm.s32 $0x0;
	s20 =	sshll.u32 s6, $0x1;
	s6 =	sadd.s32 s21, s4  }
0x9e: {  	[timem:s8], [sflag:s22] =	dma.local [hbm:s6], s20  }
0x9f: {  	_ =	swait.ge [sflag:s22], s20  }
0xa0: {  	s5 =	ssub.s32 $0x0, s20;
	[sflag:s22] =	ssyncset.done $0x0  }
0xa1: {  	[sflag:s22] =	ssyncadd.s32 s5;
	_ =	sdelay $0x1  }
0xa2: {  	s23 =	simm.s32 $0x1B8B  }
0xa3: {  	_ =	swait.ge [sflag:s23], $0x1  }
0xa4: {  	[sflag:s23] =	ssyncset.done $0x0  }
0xa5: {  	s25 =	simm.s32 $0x1B8E;
	s24 =	sld [smem:$0x3FFE];
	[sflag:s23] =	ssyncadd.s32 $0xFFFFFFFF  }
0xa6: {  	s26 =	simm.s32 $execute0_lowered;
	[smem:$0x3FD2] =	sst s25  }
0xa7: {  	s6 =	sshll.u32 s26, $0x1;
	_ =	strace $0x80000046;
	[dreg:$0x1] =	wrdreg $0xFFFFFFFF  }
0xa8: {  	s28 =	simm.s32 $_size_execute0_lowered;
	s4 =	sadd.s32 s4, s6;
	[dreg:$0x0] =	wrdreg $0x0  }
0xa9: {  	s6 =	sshll.u32 s28, $0x1;
	[dreg:$0x2] =	wrdreg s4  }
0xaa: {  	[dreg:$0x3] =	wrdreg s6  }
0xab: {  	[dreg:$0x4] =	wrdreg $0xC0  }
0xac: {  	_ =	task [dreg:s8], $0x5FFFF  }
0xad: {  	[dreg:$0x1] =	wrdreg $0xFFFFFFFF  }
0xae: {  	[dreg:$0x0] =	wrdreg $0x60  }
0xaf: {  	[dreg:$0x2] =	wrdreg s2  }
0xb0: {  	[dreg:$0x3] =	wrdreg s24  }
0xb1: {  	[dreg:$0x4] =	wrdreg s18  }
0xb2: {  	[dreg:$0x5] =	wrdreg $0x0  }
0xb3: {  	[dreg:$0x6] =	wrdreg $0x9  }
0xb4: {  	_ =	task.clear_ibuf [dreg:s8], $0x7FFFF;
	_ =	strace $0x90000046  }
0xb5: {  	s29 =	simm.s32 $0x9;
	_ =	strace $0x80000048  }
0xb6: {  	_ =	swait.ge [sflag:s29], $0x1  }
0xb7: {  	[sflag:s29] =	ssyncadd.s32 $0xFFFFFFFF  }
0xb8: {  	_ =	strace $0x90000048  }
0xb9: {  	_ =	sfence  }
0xba: {  	s30 =	sld [smem:$0x0];
	_ =	sdelay $0x2  }
0xbb: {  	s31 =	sshll.u32 s1, $0xD;
	s1 =	sshrl.u32 s1, $0x2  }
0xbc: {  	s3 =	sand.u32 $0x4000, s31;
	s1 =	sadd.s32 s1, s30  }
0xbd: {  	s0 =	sor.u32 s3, s0;
	s1 =	sshll.u32 s1, $0x11  }
0xbe: {  	s0 =	sor.u32 s1, s0  }
0xbf: {  	s0 =	sadd.s32 $0x8F2B, s0  }
0xc0: {  	[sflag:s0] =	ssyncadd.remote.s32 $0x1  }
0xc1: {  	_ =	sfence.sel $0xFFFF  }
0xc2: {  	[dreg:$0x0] =	wrdreg $0xFFFFFFFF;
	(pc) =	sbr.abs _section_cstart, $3  }
0xc3: {  	[dreg:$0x1] =	wrdreg $0xFFFFFFFF  }
0xc4: {  	_ =	task.clear_ibuf [dreg:s8], $0x2FFFF;
	_ =	strace $0x9FFFFFFF  }
0xc5: {  	(tm) =	ssettm $0x7FFFFFFF  }
tec
execute0_lowered:
.L_overlay_start_1:
0x0: {  	(tag) =	ssettag $0x1  }
0x1: {  	s1 =	rddreg [dreg:$0x0]  }
0x2: {  	s6 =	rddreg [dreg:$0x1]  }
0x3: {  	s0 =	srdreg.scid;
	s12 =	rddreg [dreg:$0x2]  }
0x4: {  	s25 =	stileid.u32;
	s3 =	rddreg [dreg:$0x3]  }
0x5: {  	s4 =	simm.s32 $0x0;
	s17 =	simm.s32 $0x2;
	s18 =	simm.s32 $0x15400  }
0x6: {  	s19 =	simm.s32 $0x3;
	s20 =	simm.s32 $0x50;
	s21 =	simm.s32 $0x17B80  }
0x7: {  	s22 =	simm.s32 $0x1A380;
	s23 =	simm.s32 $0x1CB80;
	s24 =	simm.s32 $0x15310  }
0x8: {  	s28 =	simm.s32 $0x17AC0;
	s29 =	simm.s32 $0x0;
	s9 =	smul.u32 $0x2800, s25  }
0x9: {  	s5 =	sand.u32 $0x1, s0;
	[smem:$0x7FF] =	sst s4;
	s26 =	smul.u32 $0x50000, s25  }
0xa: {  	s2 =	sshll.u32 s5, $0x4;
	s10 =	smul.u32 $0x28000, s5;
	_ =	strace $0x80000047  }
0xb: {  	s5 =	ssub.s32 $0x2, s5;
	s8 =	sor.u32 s25, s2;
	s13 =	sadd.s32 s9, s6  }
0xc: {  	s30 =	sshrl.u32 s5, $0x1;
	s7 =	smul.u32 $0x2710, s8;
	s9 =	sadd.s32 s9, s10  }
0xd: {  	s15 =	ssub.s32 s5, s30;
	s5 =	sshll.u32 s25, $0x6;
	s31 =	smul.u32 $0x500, s8  }
0xe: {  	s25 =	simm.s32 $0x166C0;
	s14 =	sadd.s32 s9, s6;
	s7 =	sshrl.u32 s7, $0x3  }
0xf: {  	s12 =	sadd.s32 s12, s31;
	s11 =	sadd.s32 s7, s6;
	s7 =	sshrl.u32 s26, $0x2  }
0x10: {  	s6 =	sadd.s32 $0x14C00, s13;
	s13 =	smax.u32 s15, $0x1;
	s15 =	simm.s32 $0x14000  }
0x11: {  	s26 =	simm.s32 $0x16710;
	s16 =	sadd.s32 s7, s3;
	s7 =	sor.u32 $0x1C01, s5  }
0x12: {  	s8 =	sadd.s32 $0xAE00, s11;
	s9 =	sadd.s32 $0x1000, s11;
	s10 =	sadd.s32 $0xB06C, s11  }
0x13: {  	v0 =	vimm.f32 $0.0e+00;
	v1 =	vimm.f32 $1.000000000e+00;
	s11 =	sadd.s32 $0x3CC00, s14;
	s14 =	sshrl.u32 s16, $0x3;
	s16 =	simm.s32 $0x1  }
.LBB2_1:
0x14: {  	[spmem:s14], [sflag:s7] =	dma.local [hbm:s6], $0x2800  }
0x15: {  	s30 =	simm.s32 $0x40;
	s31 =	simm.s32 $0x0  }
0x16: {  	[tilespmem:s15], [sflag:$0x2] =	stream.linear.gather [hbm4b:s8+s4], $0x1360, $0x38;
	[tilespmem:$0x1F380] =	vst v63  }
.LBB2_2:
0x17: {  	p0 =	sne.s32 s30, $0x9FC0;
	[tilespmem:s31+$0x1CB80] =	vst v0;
	s31 =	smov.u32 s30;
	s30 =	sadd.s32 $0x40, s30  }
.Ltmp0:
0x18: {  	(pc) =	sbr.rel @p0 .LBB2_2-.Ltmp0, $2  }
0x19: {  	_ =	sdelay $0x2  }
0x1a: {  	s31 =	sshra.s32 s31, $0x2  }
0x1b: {  	[tilespmem:s31+$0x1CB80] =	vst v0  }
0x1c: {  	_ =	swait.ge [sflag:s16], $0x2800  }
0x1d: {  	[sflag:s16] =	ssyncset.done $0x0  }
0x1e: {  	[sflag:s16] =	ssyncadd.s32 $0xFFFFD800  }
0x1f: {  	_ =	swait.ge [sflag:s17], $0x1360  }
0x20: {  	[sflag:s17] =	ssyncset.done $0x0  }
0x21: {  	s30 =	simm.s32 $0x0;
	[sflag:s17] =	ssyncadd.s32 $0xFFFFECA0  }
0x22: {  	[tilespmem:s18], [sflag:$0x3] =	stream.linear.gather [hbm4b:s9+s30], $0x2710, $0x38;
	[tilespmem:$0x1F380] =	vst v63  }
0x23: {  	_ =	swait.ge [sflag:s19], $0x2710  }
0x24: {  	[sflag:s19] =	ssyncset.done $0x0  }
0x25: {  	[sflag:s19] =	ssyncadd.s32 $0xFFFFD8F0  }
0x26: {  	s31 =	simm.s32 $0x0;
	[bflag:$0x0] =	sbarrier.arrive $0xFFFF  }
0x27: {  	[tilespmem:s21], [sflag:$0x1] =	stream.indirect.gather [hbm4b:s1+s20], $0x80, s15, s20, $0xb8;
	[tilespmem:$0x1F380] =	vst v63  }
.LBB2_4:
0x28: {  	s2 =	sshra.s32 s31, $0x2  }
0x29: {  	s0 =	sadd.s32 $0x14050, s2  }
0x2a: {  	[tilespmem:s22], [sflag:$0x2] =	stream.indirect.gather [hbm4b:s1+s20], $0x80, s0, s20, $0xb8;
	[tilespmem:$0x1F380] =	vst v63  }
0x2b: {  	_ =	swait.ge [sflag:s16], $0x2800  }
0x2c: {  	[sflag:s16] =	ssyncset.done $0x0  }
0x2d: {  	s0 =	sadd.s32 $0x15400, s2;
	[sflag:s16] =	ssyncadd.s32 $0xFFFFD800  }
0x2e: {  	[spmem:s3] =	stream.indirect.scatter.add.f32 [tilespmem:s21], [sflag:$0x3], $0x80, s0, s20, $0xb8;
	[tilespmem:$0x1F380] =	vst v63  }
0x2f: {  	_ =	swait.ge [sflag:s19], $0x2800  }
0x30: {  	[sflag:s19] =	ssyncset.done $0x0  }
0x31: {  	[sflag:s19] =	ssyncadd.s32 $0xFFFFD800  }
0x32: {  	v2 =	vld [tilespmem:s2+$0x15400];
	_ =	sdelay $0x7  }
0x33: {  	[tilespmem:v2+s23+$0x0] =	vst.idx.add.f32.msk $0xffff, v1  }
0x34: {  	v2 =	vld [tilespmem:s2+$0x15410];
	_ =	sdelay $0x7  }
0x35: {  	[tilespmem:v2+s23+$0x0] =	vst.idx.add.f32.msk $0xffff, v1  }
0x36: {  	v2 =	vld [tilespmem:s2+$0x15420];
	_ =	sdelay $0x7  }
0x37: {  	[tilespmem:v2+s23+$0x0] =	vst.idx.add.f32.msk $0xffff, v1  }
0x38: {  	v2 =	vld [tilespmem:s2+$0x15430];
	_ =	sdelay $0x7  }
0x39: {  	[tilespmem:v2+s23+$0x0] =	vst.idx.add.f32.msk $0xffff, v1  }
0x3a: {  	v2 =	vld [tilespmem:s2+$0x15440];
	_ =	sdelay $0x7  }
0x3b: {  	s0 =	sadd.s32 $0x140A0, s2;
	[tilespmem:v2+s23+$0x0] =	vst.idx.add.f32.msk $0xffff, v1  }
0x3c: {  	[tilespmem:s21], [sflag:$0x1] =	stream.indirect.gather [hbm4b:s1+s20], $0x80, s0, s20, $0xb8;
	[tilespmem:$0x1F380] =	vst v63  }
0x3d: {  	_ =	swait.ge [sflag:s17], $0x2800  }
0x3e: {  	[sflag:s17] =	ssyncset.done $0x0  }
0x3f: {  	s0 =	sadd.s32 $0x15450, s2;
	[sflag:s17] =	ssyncadd.s32 $0xFFFFD800  }
0x40: {  	[spmem:s3] =	stream.indirect.scatter.add.f32 [tilespmem:s22], [sflag:$0x3], $0x80, s0, s20, $0xb8;
	[tilespmem:$0x1F380] =	vst v63  }
0x41: {  	_ =	swait.ge [sflag:s19], $0x2800  }
0x42: {  	[sflag:s19] =	ssyncset.done $0x0  }
0x43: {  	[sflag:s19] =	ssyncadd.s32 $0xFFFFD800  }
0x44: {  	v2 =	vld [tilespmem:s2+$0x15450];
	_ =	sdelay $0x7  }
0x45: {  	[tilespmem:v2+s23+$0x0] =	vst.idx.add.f32.msk $0xffff, v1  }
0x46: {  	v2 =	vld [tilespmem:s2+$0x15460];
	_ =	sdelay $0x7  }
0x47: {  	[tilespmem:v2+s23+$0x0] =	vst.idx.add.f32.msk $0xffff, v1  }
0x48: {  	v2 =	vld [tilespmem:s2+$0x15470];
	_ =	sdelay $0x7  }
0x49: {  	s0 =	sand.u32 $0x1FE0, s30;
	[tilespmem:v2+s23+$0x0] =	vst.idx.add.f32.msk $0xffff, v1  }
0x4a: {  	v2 =	vld [tilespmem:s0+$0x15480];
	_ =	sdelay $0x7  }
0x4b: {  	[tilespmem:v2+s23+$0x0] =	vst.idx.add.f32.msk $0xffff, v1  }
0x4c: {  	v2 =	vld [tilespmem:s2+$0x15490];
	_ =	sdelay $0x2  }
0x4d: {  	p0 =	sne.s32 s31, $0x4880  }
.Ltmp1:
0x4e: {  	_ = 	snop;
	(pc) =	sbr.rel @p0 .LBB2_4-.Ltmp1, $2  }
0x4f: {  	_ =	sdelay $0x2  }
0x50: {  	s31 =	sadd.s32 $0x280, s31;
	s30 =	sadd.s32 $0xA0, s30;
	[tilespmem:v2+s23+$0x0] =	vst.idx.add.f32.msk $0xffff, v1  }
0x51: {  	[tilespmem:s22], [sflag:$0x2] =	stream.indirect.gather [hbm4b:s1+s20], $0x80, s24, s20, $0xb8;
	[tilespmem:$0x1F380] =	vst v63  }
0x52: {  	_ =	swait.ge [sflag:s16], $0x2800  }
0x53: {  	[sflag:s16] =	ssyncset.done $0x0  }
0x54: {  	[sflag:s16] =	ssyncadd.s32 $0xFFFFD800  }
0x55: {  	[spmem:s3] =	stream.indirect.scatter.add.f32 [tilespmem:s21], [sflag:$0x3], $0x80, s25, s20, $0xb8;
	[tilespmem:$0x1F380] =	vst v63  }
0x56: {  	_ =	swait.ge [sflag:s19], $0x2800  }
0x57: {  	[sflag:s19] =	ssyncset.done $0x0  }
0x58: {  	[sflag:s19] =	ssyncadd.s32 $0xFFFFD800  }
0x59: {  	v2 =	vld [tilespmem:$0x166C0];
	_ =	sdelay $0x7  }
0x5a: {  	[tilespmem:v2+s23+$0x0] =	vst.idx.add.f32.msk $0xffff, v1  }
0x5b: {  	v2 =	vld [tilespmem:$0x166D0];
	_ =	sdelay $0x7  }
0x5c: {  	[tilespmem:v2+s23+$0x0] =	vst.idx.add.f32.msk $0xffff, v1  }
0x5d: {  	v2 =	vld [tilespmem:$0x166E0];
	_ =	sdelay $0x7  }
0x5e: {  	[tilespmem:v2+s23+$0x0] =	vst.idx.add.f32.msk $0xffff, v1  }
0x5f: {  	v2 =	vld [tilespmem:$0x166F0];
	_ =	sdelay $0x7  }
0x60: {  	[tilespmem:v2+s23+$0x0] =	vst.idx.add.f32.msk $0xffff, v1  }
0x61: {  	v2 =	vld [tilespmem:$0x16700];
	_ =	sdelay $0x7  }
0x62: {  	[tilespmem:v2+s23+$0x0] =	vst.idx.add.f32.msk $0xffff, v1  }
0x63: {  	_ =	swait.ge [sflag:s17], $0x2800  }
0x64: {  	[sflag:s17] =	ssyncset.done $0x0  }
0x65: {  	[sflag:s17] =	ssyncadd.s32 $0xFFFFD800  }
0x66: {  	[spmem:s3] =	stream.indirect.scatter.add.f32 [tilespmem:s22], [sflag:$0x3], $0x80, s26, s20, $0xb8;
	[tilespmem:$0x1F380] =	vst v63  }
0x67: {  	_ =	swait.ge [sflag:s19], $0x2800  }
0x68: {  	[sflag:s19] =	ssyncset.done $0x0  }
0x69: {  	[sflag:s19] =	ssyncadd.s32 $0xFFFFD800  }
0x6a: {  	v2 =	vld [tilespmem:$0x16710];
	_ =	sdelay $0x7  }
0x6b: {  	[tilespmem:v2+s23+$0x0] =	vst.idx.add.f32.msk $0xffff, v1  }
0x6c: {  	v2 =	vld [tilespmem:$0x16720];
	_ =	sdelay $0x7  }
0x6d: {  	[tilespmem:v2+s23+$0x0] =	vst.idx.add.f32.msk $0xffff, v1  }
0x6e: {  	v2 =	vld [tilespmem:$0x16730];
	_ =	sdelay $0x7  }
0x6f: {  	[tilespmem:v2+s23+$0x0] =	vst.idx.add.f32.msk $0xffff, v1  }
0x70: {  	v2 =	vld [tilespmem:$0x16740];
	_ =	sdelay $0x7  }
0x71: {  	[tilespmem:v2+s23+$0x0] =	vst.idx.add.f32.msk $0xffff, v1  }
0x72: {  	v2 =	vld [tilespmem:$0x16750];
	_ =	sdelay $0x7  }
0x73: {  	s30 =	simm.s32 $0x0;
	[tilespmem:v2+s23+$0x0] =	vst.idx.add.f32.msk $0xffff, v1  }
0x74: {  	[tilespmem:s15], [sflag:$0x3] =	stream.linear.gather [hbm4b:s10+s30], $0x13B0, $0x38;
	[tilespmem:$0x1F380] =	vst v63  }
0x75: {  	_ =	swait.ge [sflag:s19], $0x13B0  }
0x76: {  	[sflag:s19] =	ssyncset.done $0x0  }
0x77: {  	s31 =	simm.s32 $0x0;
	[sflag:s19] =	ssyncadd.s32 $0xFFFFEC50  }
0x78: {  	[tilespmem:s21], [sflag:$0x1] =	stream.indirect.gather [hbm4b:s1+s20], $0x80, s15, s20, $0xb8;
	[tilespmem:$0x1F380] =	vst v63  }
.LBB2_6:
0x79: {  	s0 =	sshra.s32 s31, $0x2  }
0x7a: {  	s2 =	sadd.s32 $0x14050, s0  }
0x7b: {  	[tilespmem:s22], [sflag:$0x2] =	stream.indirect.gather [hbm4b:s1+s20], $0x80, s2, s20, $0xb8;
	[tilespmem:$0x1F380] =	vst v63  }
0x7c: {  	_ =	swait.ge [sflag:s16], $0x2800  }
0x7d: {  	[sflag:s16] =	ssyncset.done $0x0  }
0x7e: {  	s2 =	sadd.s32 $0x16760, s0;
	[sflag:s16] =	ssyncadd.s32 $0xFFFFD800  }
0x7f: {  	[spmem:s3] =	stream.indirect.scatter.add.f32 [tilespmem:s21], [sflag:$0x3], $0x80, s2, s20, $0xb8;
	[tilespmem:$0x1F380] =	vst v63  }
0x80: {  	_ =	swait.ge [sflag:s19], $0x2800  }
0x81: {  	[sflag:s19] =	ssyncset.done $0x0  }
0x82: {  	[sflag:s19] =	ssyncadd.s32 $0xFFFFD800  }
0x83: {  	v2 =	vld [tilespmem:s0+$0x16760];
	_ =	sdelay $0x7  }
0x84: {  	[tilespmem:v2+s23+$0x0] =	vst.idx.add.f32.msk $0xffff, v1  }
0x85: {  	v2 =	vld [tilespmem:s0+$0x16770];
	_ =	sdelay $0x7  }
0x86: {  	s2 =	sand.u32 $0x1FE0, s30;
	[tilespmem:v2+s23+$0x0] =	vst.idx.add.f32.msk $0xffff, v1  }
0x87: {  	v2 =	vld [tilespmem:s2+$0x16780];
	_ =	sdelay $0x7  }
0x88: {  	[tilespmem:v2+s23+$0x0] =	vst.idx.add.f32.msk $0xffff, v1  }
0x89: {  	v2 =	vld [tilespmem:s0+$0x16790];
	_ =	sdelay $0x7  }
0x8a: {  	[tilespmem:v2+s23+$0x0] =	vst.idx.add.f32.msk $0xffff, v1  }
0x8b: {  	v2 =	vld [tilespmem:s0+$0x167A0];
	_ =	sdelay $0x7  }
0x8c: {  	s2 =	sadd.s32 $0x140A0, s0;
	[tilespmem:v2+s23+$0x0] =	vst.idx.add.f32.msk $0xffff, v1  }
0x8d: {  	[tilespmem:s21], [sflag:$0x1] =	stream.indirect.gather [hbm4b:s1+s20], $0x80, s2, s20, $0xb8;
	[tilespmem:$0x1F380] =	vst v63  }
0x8e: {  	_ =	swait.ge [sflag:s17], $0x2800  }
0x8f: {  	[sflag:s17] =	ssyncset.done $0x0  }
0x90: {  	s2 =	sadd.s32 $0x167B0, s0;
	[sflag:s17] =	ssyncadd.s32 $0xFFFFD800  }
0x91: {  	[spmem:s3] =	stream.indirect.scatter.add.f32 [tilespmem:s22], [sflag:$0x3], $0x80, s2, s20, $0xb8;
	[tilespmem:$0x1F380] =	vst v63  }
0x92: {  	_ =	swait.ge [sflag:s19], $0x2800  }
0x93: {  	[sflag:s19] =	ssyncset.done $0x0  }
0x94: {  	[sflag:s19] =	ssyncadd.s32 $0xFFFFD800  }
0x95: {  	v2 =	vld [tilespmem:s0+$0x167B0];
	_ =	sdelay $0x7  }
0x96: {  	[tilespmem:v2+s23+$0x0] =	vst.idx.add.f32.msk $0xffff, v1  }
0x97: {  	v2 =	vld [tilespmem:s0+$0x167C0];
	_ =	sdelay $0x7  }
0x98: {  	[tilespmem:v2+s23+$0x0] =	vst.idx.add.f32.msk $0xffff, v1  }
0x99: {  	v2 =	vld [tilespmem:s0+$0x167D0];
	_ =	sdelay $0x7  }
0x9a: {  	[tilespmem:v2+s23+$0x0] =	vst.idx.add.f32.msk $0xffff, v1  }
0x9b: {  	v2 =	vld [tilespmem:s0+$0x167E0];
	_ =	sdelay $0x7  }
0x9c: {  	[tilespmem:v2+s23+$0x0] =	vst.idx.add.f32.msk $0xffff, v1  }
0x9d: {  	v2 =	vld [tilespmem:s0+$0x167F0];
	_ =	sdelay $0x2  }
0x9e: {  	p0 =	sne.s32 s31, $0x4B00  }
.Ltmp2:
0x9f: {  	_ = 	snop;
	(pc) =	sbr.rel @p0 .LBB2_6-.Ltmp2, $2  }
0xa0: {  	_ =	sdelay $0x2  }
0xa1: {  	s31 =	sadd.s32 $0x280, s31;
	s30 =	sadd.s32 $0xA0, s30;
	[tilespmem:v2+s23+$0x0] =	vst.idx.add.f32.msk $0xffff, v1  }
0xa2: {  	_ =	swait.ge [sflag:s16], $0x2800  }
0xa3: {  	[sflag:s16] =	ssyncset.done $0x0  }
0xa4: {  	[sflag:s16] =	ssyncadd.s32 $0xFFFFD800  }
0xa5: {  	[spmem:s3] =	stream.indirect.scatter.add.f32 [tilespmem:s21], [sflag:$0x3], $0x80, s28, s20, $0xb8;
	[tilespmem:$0x1F380] =	vst v63  }
0xa6: {  	_ =	swait.ge [sflag:s19], $0x2800  }
0xa7: {  	[sflag:s19] =	ssyncset.done $0x0  }
0xa8: {  	[sflag:s19] =	ssyncadd.s32 $0xFFFFD800  }
0xa9: {  	v2 =	vld [tilespmem:$0x17AC0];
	_ =	sdelay $0x7  }
0xaa: {  	[tilespmem:v2+s23+$0x0] =	vst.idx.add.f32.msk $0xffff, v1  }
0xab: {  	v2 =	vld [tilespmem:$0x17AD0];
	_ =	sdelay $0x7  }
0xac: {  	[tilespmem:v2+s23+$0x0] =	vst.idx.add.f32.msk $0xffff, v1  }
0xad: {  	v2 =	vld [tilespmem:$0x17AE0];
	_ =	sdelay $0x7  }
0xae: {  	[tilespmem:v2+s23+$0x0] =	vst.idx.add.f32.msk $0xffff, v1  }
0xaf: {  	v2 =	vld [tilespmem:$0x17AF0];
	_ =	sdelay $0x7  }
0xb0: {  	[tilespmem:v2+s23+$0x0] =	vst.idx.add.f32.msk $0xffff, v1  }
0xb1: {  	v2 =	vld [tilespmem:$0x17B00];
	_ =	sdelay $0x7  }
0xb2: {  	[tilespmem:v2+s23+$0x0] =	vst.idx.add.f32.msk $0xffff, v1  }
0xb3: {  	s0 =	sor.u32 $0x1C03, s5;
	[bflag:$0x0] =	sbarrier.arrive $0xFFFF  }
0xb4: {  	[hbm:s11], [sflag:s0] =	dma.local [spmem:s14], $0x2800  }
0xb5: {  	s29 =	sadd.s32 $0x1, s29;
	_ =	swait.ge [sflag:s19], $0x2800  }
0xb6: {  	p0 =	sne.s32 s29, s13;
	[sflag:s19] =	ssyncset.done $0x0  }
.Ltmp3:
0xb7: {  	[sflag:s19] =	ssyncadd.s32 $0xFFFFD800;
	(pc) =	sbr.rel @p0 .LBB2_1-.Ltmp3, $4  }
0xb8: {  	[hbm4b:s12+s4] =	stream.linear.scatter [tilespmem:s23], [sflag:$0x3], $0x2800, $0x38;
	[tilespmem:$0x1F380] =	vst v63  }
0xb9: {  	_ =	swait.ge [sflag:s19], $0x2800  }
0xba: {  	[sflag:s19] =	ssyncset.done $0x0  }
0xbb: {  	[sflag:s19] =	ssyncadd.s32 $0xFFFFD800  }
0xbc: {  	_ =	sfence.sel $0x180000  }
0xbd: {  	[bflag:$0x0] =	sbarrier.arrive $0xFFFF  }
0xbe: {  	_ =	strace $0x90000047  }
0xbf: {  	s0 =	stileid.u32;
	[bflag:$0x2] =	sbarrier.arrive $0xFFFF  }
0xc0: {  	p0 =	sne.s32 s0, $0x0;
	s0 =	rddreg [dreg:$0x4]  }
0xc1: {  	s0 =	sadd.s32 @!p0 $0x100000, s0  }
0xc2: {  	[sflag:s0] =	ssyncadd.tile.s32 @!p0 $0x1;
	_ =	shalt  }
.Lfunc_end2:
_tile_overlayer_lowered:
.L_overlay_start_2:
0xc3: {  	(tag) =	ssettag $0x2  }
0xc4: {  	s0 =	rddreg [dreg:$0x0];
	s2 =	stileid.u32  }
0xc5: {  	s1 =	rddreg [dreg:$0x1];
	p0 =	sne.s32 s2, $0x0  }
0xc6: {  	s3 =	rddreg [dreg:$0x2];
	[bflag:$0x3] =	sbarrier.arrive $0xFFFF;
	s2 =	simm.s32 @!p0 $0x1C03  }
0xc7: {  	[timem:s3], [sflag:s2] =	dma.local @!p0 [hbm:s0], s1  }
0xc8: {  	s0 =	simm.s32 @!p0 $0x3  }
0xc9: {  	_ =	swait.ge @!p0 [sflag:s0], s1  }
0xca: {  	s1 =	ssub.s32 @!p0 $0x0, s1;
	[sflag:s0] =	ssyncset.done @!p0 $0x0  }
0xcb: {  	[sflag:s0] =	ssyncadd.s32 @!p0 s1  }
0xcc: {  	[bflag:$0x3] =	sbarrier.arrive $0xFFFF  }
0xcd: {  	_ =	shalt  }

</sc_bundles>
